<compile_context>
chip_gen: v7x
topology: tpu7x:2x2x1
jax: 0.10.2.dev20260603
libtpu: 0.0.44.dev20260713+nightly
codegen_flags: <defaults>
</compile_context>

<pallas_src>
import jax
import jax.numpy as jnp
from jax import lax
from jax.experimental import pallas as pl
from jax.experimental.pallas import tpu as pltpu
from jax.experimental.pallas import tpu_sc as plsc

BATCH = 16384
NUM_WORKERS = 32
NUM_SUBCORES = 16
CHUNK = 128
PER_WORKER = BATCH // NUM_WORKERS
NUM_CHUNKS = PER_WORKER // CHUNK
LANES = 16
TABLE = 100000
BULK = 6144
TAIL_OFF = BULK * NUM_SUBCORES
TAIL = TABLE - TAIL_OFF
TAIL_PAD = 2048


def _irt_body(agent_r, task_r, theta_r, beta_r, tail_t_r, tail_b_r, out_r,
              idx_a, idx_t, th, be, tab_t, tab_b, sem):
    nc = plsc.get_sparse_core_info().num_cores
    sid = lax.axis_index("s")
    wid = sid * nc + lax.axis_index("c")

    ca = pltpu.async_copy(agent_r.at[wid], idx_a, sem)
    ct = pltpu.async_copy(task_r.at[wid], idx_t, sem)

    base = pl.multiple_of(sid * BULK, 128)
    cs = [pltpu.async_copy(theta_r.at[0, pl.ds(base, BULK)],
                           tab_t.at[pl.ds(base, BULK)], sem),
          pltpu.async_copy(beta_r.at[0, pl.ds(base, BULK)],
                           tab_b.at[pl.ds(base, BULK)], sem)]

    @pl.when(sid == 0)
    def _():
        pltpu.sync_copy(tail_t_r, tab_t.at[pl.ds(TAIL_OFF, TAIL_PAD)])

    @pl.when(sid == 1)
    def _():
        pltpu.sync_copy(tail_b_r, tab_b.at[pl.ds(TAIL_OFF, TAIL_PAD)])

    for c in cs:
        c.wait()
    plsc.subcore_barrier()
    ca.wait()
    ct.wait()

    copies = []
    for j in range(NUM_CHUNKS):
        copies.append(pltpu.async_copy(tab_t.at[idx_a.at[j]], th.at[j], sem))
        copies.append(pltpu.async_copy(tab_b.at[idx_t.at[j]], be.at[j], sem))
    outs = []
    for j in range(NUM_CHUNKS):
        copies[2 * j].wait()
        copies[2 * j + 1].wait()
        for i in range(CHUNK // LANES):
            s = pl.ds(i * LANES, LANES)
            th[j, s] = th[j, s] - be[j, s]
        outs.append(pltpu.async_copy(th.at[j], out_r.at[wid].at[j], sem))
    for c in outs:
        c.wait()


@jax.jit
def _irt(agent_idx, task_idx, theta, beta):
    mesh = plsc.VectorSubcoreMesh(core_axis_name="c", subcore_axis_name="s")
    run = pl.kernel(
        _irt_body,
        out_type=jax.ShapeDtypeStruct((NUM_WORKERS, NUM_CHUNKS, CHUNK), jnp.float32),
        mesh=mesh,
        scratch_types=[
            pltpu.VMEM((NUM_CHUNKS, CHUNK), jnp.int32),
            pltpu.VMEM((NUM_CHUNKS, CHUNK), jnp.int32),
            pltpu.VMEM((NUM_CHUNKS, CHUNK), jnp.float32),
            pltpu.VMEM((NUM_CHUNKS, CHUNK), jnp.float32),
            pltpu.VMEM_SHARED((TAIL_OFF + TAIL_PAD,), jnp.float32),
            pltpu.VMEM_SHARED((TAIL_OFF + TAIL_PAD,), jnp.float32),
            pltpu.SemaphoreType.DMA,
        ],
    )
    a = agent_idx.astype(jnp.int32).reshape(NUM_WORKERS, NUM_CHUNKS, CHUNK)
    t = task_idx.astype(jnp.int32).reshape(NUM_WORKERS, NUM_CHUNKS, CHUNK)
    out = run(a, t, theta.reshape(1, TABLE), beta.reshape(1, TABLE),
              jnp.pad(theta[TAIL_OFF:, 0], (0, TAIL_PAD - TAIL)),
              jnp.pad(beta[TAIL_OFF:, 0], (0, TAIL_PAD - TAIL)))
    return out.reshape(BATCH)


def kernel(agent_idx, task_idx, theta, beta):
    return _irt(agent_idx, task_idx, theta, beta)

# --- scband reference (transcript-rebuilt; emitter-appended) ---
"""Pipeline reference for scband-standard-irt-23098334117949 (READ-ONLY COPY).

The authoritative reference and input builder live on the scoring server;
editing this copy changes nothing except your own understanding.
"""

import jax, jax.numpy as jnp
import numpy as np

NUM_AGENTS = 100000
NUM_TASKS = 100000
BATCH = 16384


def setup_inputs(seed: int = 0) -> dict:
    key = jax.random.key(seed)
    k1, k2, k3, k4 = jax.random.split(key, 4)
    agent_idx = jax.random.randint(k1, (BATCH,), 0, NUM_AGENTS, dtype=jnp.int64 if jax.config.jax_enable_x64 else jnp.int32)
    task_idx = jax.random.randint(k2, (BATCH,), 0, NUM_TASKS, dtype=jnp.int64 if jax.config.jax_enable_x64 else jnp.int32)
    theta = jax.random.normal(k3, (NUM_AGENTS, 1), dtype=jnp.float32) * 0.1
    beta = jax.random.normal(k4, (NUM_TASKS, 1), dtype=jnp.float32) * 0.1
    return {"agent_idx": agent_idx, "task_idx": task_idx, "theta": theta, "beta": beta}


def reference(agent_idx, task_idx, theta, beta):
    # theta = self.theta(agent_idx): embedding gather -> [B, 1]
    th = jnp.take(theta, agent_idx, axis=0)
    # beta = self.beta(task_idx): embedding gather -> [B, 1]
    be = jnp.take(beta, task_idx, axis=0)
    logits = th - be
    return jnp.squeeze(logits, axis=-1)

if __name__ == "__main__":
    import jax
    _d = setup_inputs()
    print(jax.jit(kernel)(*tuple(_d.values())))

</pallas_src>

<mosaic_0001>
#map = affine_map<(d0, d1) -> (0, 0, 0)>
#map1 = affine_map<(d0, d1) -> (0, 0)>
#map2 = affine_map<(d0, d1) -> (0)>
module attributes {stable_mosaic.version = 14 : i64} {
  func.func @_irt_body(%arg0: i32, %arg1: i32, %arg2: memref<32x4x128xi32, #tpu.memory_space<hbm>>, %arg3: memref<32x4x128xi32, #tpu.memory_space<hbm>>, %arg4: memref<1x100000xf32, #tpu.memory_space<hbm>>, %arg5: memref<1x100000xf32, #tpu.memory_space<hbm>>, %arg6: memref<2048xf32, #tpu.memory_space<hbm>>, %arg7: memref<2048xf32, #tpu.memory_space<hbm>>, %arg8: memref<32x4x128xf32, #tpu.memory_space<hbm>>, %arg9: memref<4x128xi32, #tpu.memory_space<vmem>>, %arg10: memref<4x128xi32, #tpu.memory_space<vmem>>, %arg11: memref<4x128xf32, #tpu.memory_space<vmem>>, %arg12: memref<4x128xf32, #tpu.memory_space<vmem>>, %arg13: memref<100352xf32, #tpu.memory_space<vmem_shared>>, %arg14: memref<100352xf32, #tpu.memory_space<vmem_shared>>, %arg15: memref<!tpu.dma_semaphore, #tpu.memory_space<semaphore_mem>>) attributes {dimension_semantics = [#tpu.dimension_semantics<core_parallel>, #tpu.dimension_semantics<subcore_parallel>], iteration_bounds = array<i64: 2, 16>, scalar_prefetch = 0 : i64, scratch_operands = 7 : i64, tpu.core_type = #tpu.core_type<sc_vector_subcore>, window_params = [{transform_indices = #map}, {transform_indices = #map}, {transform_indices = #map1}, {transform_indices = #map1}, {transform_indices = #map2}, {transform_indices = #map2}, {transform_indices = #map}]} {
    %mul3A = arith.constant 2 : i32
    %mul3A_0 = arith.muli %arg1, %mul3A : i32
    %add3A = arith.addi %mul3A_0, %arg0 : i32
    %dma_start3A = arith.constant 0 : i32
    %dma_start3A_1 = arith.constant 0 : i32
    %dma_start3A_2 = tpu.memref_slice %arg2[%add3A, %dma_start3A, %dma_start3A_1] : memref<32x4x128xi32, #tpu.memory_space<hbm>> -> memref<1x4x128xi32, #tpu.memory_space<hbm>>
    %dma_start3A_3 = tpu.memref_squeeze %dma_start3A_2 : memref<1x4x128xi32, #tpu.memory_space<hbm>> -> memref<4x128xi32, #tpu.memory_space<hbm>>
    %dma_start3A_4 = arith.constant 0 : i32
    %dma_start3A_5 = arith.constant 0 : i32
    %dma_start3A_6 = tpu.memref_slice %arg2[%add3A, %dma_start3A_4, %dma_start3A_5] : memref<32x4x128xi32, #tpu.memory_space<hbm>> -> memref<1x4x128xi32, #tpu.memory_space<hbm>>
    %dma_start3A_7 = tpu.memref_squeeze %dma_start3A_6 : memref<1x4x128xi32, #tpu.memory_space<hbm>> -> memref<4x128xi32, #tpu.memory_space<hbm>>
    tpu.enqueue_dma source(%dma_start3A_7 : memref<4x128xi32, #tpu.memory_space<hbm>>) target(%arg9 : memref<4x128xi32, #tpu.memory_space<vmem>>) target_semaphore(%arg15 : memref<!tpu.dma_semaphore, #tpu.memory_space<semaphore_mem>>)
    %dma_start3A_8 = arith.constant 0 : i32
    %dma_start3A_9 = arith.constant 0 : i32
    %dma_start3A_10 = tpu.memref_slice %arg3[%add3A, %dma_start3A_8, %dma_start3A_9] : memref<32x4x128xi32, #tpu.memory_space<hbm>> -> memref<1x4x128xi32, #tpu.memory_space<hbm>>
    %dma_start3A_11 = tpu.memref_squeeze %dma_start3A_10 : memref<1x4x128xi32, #tpu.memory_space<hbm>> -> memref<4x128xi32, #tpu.memory_space<hbm>>
    %dma_start3A_12 = arith.constant 0 : i32
    %dma_start3A_13 = arith.constant 0 : i32
    %dma_start3A_14 = tpu.memref_slice %arg3[%add3A, %dma_start3A_12, %dma_start3A_13] : memref<32x4x128xi32, #tpu.memory_space<hbm>> -> memref<1x4x128xi32, #tpu.memory_space<hbm>>
    %dma_start3A_15 = tpu.memref_squeeze %dma_start3A_14 : memref<1x4x128xi32, #tpu.memory_space<hbm>> -> memref<4x128xi32, #tpu.memory_space<hbm>>
    tpu.enqueue_dma source(%dma_start3A_15 : memref<4x128xi32, #tpu.memory_space<hbm>>) target(%arg10 : memref<4x128xi32, #tpu.memory_space<vmem>>) target_semaphore(%arg15 : memref<!tpu.dma_semaphore, #tpu.memory_space<semaphore_mem>>)
    %mul3A_16 = arith.constant 6144 : i32
    %mul3A_17 = arith.muli %arg1, %mul3A_16 : i32
    %multiple_of3A = tpu.assume_multiple %mul3A_17, 128 : i32
    %dma_start3A_18 = arith.constant 0 : i32
    %dma_start3A_19 = tpu.memref_slice %arg13[%multiple_of3A] : memref<100352xf32, #tpu.memory_space<vmem_shared>> -> memref<6144xf32, #tpu.memory_space<vmem_shared>>
    %dma_start3A_20 = tpu.memref_slice %arg4[%dma_start3A_18, %multiple_of3A] : memref<1x100000xf32, #tpu.memory_space<hbm>> -> memref<1x6144xf32, #tpu.memory_space<hbm>>
    %dma_start3A_21 = tpu.memref_squeeze %dma_start3A_20 : memref<1x6144xf32, #tpu.memory_space<hbm>> -> memref<6144xf32, #tpu.memory_space<hbm>>
    tpu.enqueue_dma source(%dma_start3A_21 : memref<6144xf32, #tpu.memory_space<hbm>>) target(%dma_start3A_19 : memref<6144xf32, #tpu.memory_space<vmem_shared>>) target_semaphore(%arg15 : memref<!tpu.dma_semaphore, #tpu.memory_space<semaphore_mem>>)
    %dma_start3A_22 = arith.constant 0 : i32
    %dma_start3A_23 = tpu.memref_slice %arg14[%multiple_of3A] : memref<100352xf32, #tpu.memory_space<vmem_shared>> -> memref<6144xf32, #tpu.memory_space<vmem_shared>>
    %dma_start3A_24 = tpu.memref_slice %arg5[%dma_start3A_22, %multiple_of3A] : memref<1x100000xf32, #tpu.memory_space<hbm>> -> memref<1x6144xf32, #tpu.memory_space<hbm>>
    %dma_start3A_25 = tpu.memref_squeeze %dma_start3A_24 : memref<1x6144xf32, #tpu.memory_space<hbm>> -> memref<6144xf32, #tpu.memory_space<hbm>>
    tpu.enqueue_dma source(%dma_start3A_25 : memref<6144xf32, #tpu.memory_space<hbm>>) target(%dma_start3A_23 : memref<6144xf32, #tpu.memory_space<vmem_shared>>) target_semaphore(%arg15 : memref<!tpu.dma_semaphore, #tpu.memory_space<semaphore_mem>>)
    %eq3A = arith.constant 0 : i32
    %eq3A_26 = arith.cmpi eq, %arg1, %eq3A : i32
    %convert_element_type3A = arith.extui %eq3A_26 : i1 to i32
    %cond3A = arith.constant 0 : i32
    %cond3A_27 = arith.cmpi ne, %convert_element_type3A, %cond3A : i32
    scf.if %cond3A_27 {
      "tpu.region"() ({
        %run_scoped3A = tpu.sem_alloc : memref<!tpu.dma_semaphore, #tpu.memory_space<semaphore_mem>>
        %dma_start3A_933 = arith.constant 98304 : i32
        %dma_start3A_934 = tpu.memref_slice %arg13[%dma_start3A_933] : memref<100352xf32, #tpu.memory_space<vmem_shared>> -> memref<2048xf32, #tpu.memory_space<vmem_shared>>
        tpu.enqueue_dma source(%arg6 : memref<2048xf32, #tpu.memory_space<hbm>>) target(%dma_start3A_934 : memref<2048xf32, #tpu.memory_space<vmem_shared>>) target_semaphore(%run_scoped3A : memref<!tpu.dma_semaphore, #tpu.memory_space<semaphore_mem>>)
        %dma_wait3A_935 = arith.constant 98304 : i32
        %dma_wait3A_936 = tpu.memref_slice %arg13[%dma_wait3A_935] : memref<100352xf32, #tpu.memory_space<vmem_shared>> -> memref<2048xf32, #tpu.memory_space<vmem_shared>>
        tpu.wait_dma2 semaphore(%run_scoped3A : memref<!tpu.dma_semaphore, #tpu.memory_space<semaphore_mem>>) src(%arg6 : memref<2048xf32, #tpu.memory_space<hbm>>) dst(%dma_wait3A_936 : memref<2048xf32, #tpu.memory_space<vmem_shared>>)
        tpu.yield
      }) : () -> ()
    } else {
    }
    %eq3A_28 = arith.constant 1 : i32
    %eq3A_29 = arith.cmpi eq, %arg1, %eq3A_28 : i32
    %convert_element_type3A_30 = arith.extui %eq3A_29 : i1 to i32
    %cond3A_31 = arith.constant 0 : i32
    %cond3A_32 = arith.cmpi ne, %convert_element_type3A_30, %cond3A_31 : i32
    scf.if %cond3A_32 {
      "tpu.region"() ({
        %run_scoped3A = tpu.sem_alloc : memref<!tpu.dma_semaphore, #tpu.memory_space<semaphore_mem>>
        %dma_start3A_933 = arith.constant 98304 : i32
        %dma_start3A_934 = tpu.memref_slice %arg14[%dma_start3A_933] : memref<100352xf32, #tpu.memory_space<vmem_shared>> -> memref<2048xf32, #tpu.memory_space<vmem_shared>>
        tpu.enqueue_dma source(%arg7 : memref<2048xf32, #tpu.memory_space<hbm>>) target(%dma_start3A_934 : memref<2048xf32, #tpu.memory_space<vmem_shared>>) target_semaphore(%run_scoped3A : memref<!tpu.dma_semaphore, #tpu.memory_space<semaphore_mem>>)
        %dma_wait3A_935 = arith.constant 98304 : i32
        %dma_wait3A_936 = tpu.memref_slice %arg14[%dma_wait3A_935] : memref<100352xf32, #tpu.memory_space<vmem_shared>> -> memref<2048xf32, #tpu.memory_space<vmem_shared>>
        tpu.wait_dma2 semaphore(%run_scoped3A : memref<!tpu.dma_semaphore, #tpu.memory_space<semaphore_mem>>) src(%arg7 : memref<2048xf32, #tpu.memory_space<hbm>>) dst(%dma_wait3A_936 : memref<2048xf32, #tpu.memory_space<vmem_shared>>)
        tpu.yield
      }) : () -> ()
    } else {
    }
    %dma_wait3A = arith.constant 0 : i32
    %dma_wait3A_33 = tpu.memref_slice %arg13[%multiple_of3A] : memref<100352xf32, #tpu.memory_space<vmem_shared>> -> memref<6144xf32, #tpu.memory_space<vmem_shared>>
    %dma_wait3A_34 = tpu.memref_slice %arg4[%dma_wait3A, %multiple_of3A] : memref<1x100000xf32, #tpu.memory_space<hbm>> -> memref<1x6144xf32, #tpu.memory_space<hbm>>
    %dma_wait3A_35 = tpu.memref_squeeze %dma_wait3A_34 : memref<1x6144xf32, #tpu.memory_space<hbm>> -> memref<6144xf32, #tpu.memory_space<hbm>>
    tpu.wait_dma2 semaphore(%arg15 : memref<!tpu.dma_semaphore, #tpu.memory_space<semaphore_mem>>) src(%dma_wait3A_35 : memref<6144xf32, #tpu.memory_space<hbm>>) dst(%dma_wait3A_33 : memref<6144xf32, #tpu.memory_space<vmem_shared>>)
    %dma_wait3A_36 = arith.constant 0 : i32
    %dma_wait3A_37 = tpu.memref_slice %arg14[%multiple_of3A] : memref<100352xf32, #tpu.memory_space<vmem_shared>> -> memref<6144xf32, #tpu.memory_space<vmem_shared>>
    %dma_wait3A_38 = tpu.memref_slice %arg5[%dma_wait3A_36, %multiple_of3A] : memref<1x100000xf32, #tpu.memory_space<hbm>> -> memref<1x6144xf32, #tpu.memory_space<hbm>>
    %dma_wait3A_39 = tpu.memref_squeeze %dma_wait3A_38 : memref<1x6144xf32, #tpu.memory_space<hbm>> -> memref<6144xf32, #tpu.memory_space<hbm>>
    tpu.wait_dma2 semaphore(%arg15 : memref<!tpu.dma_semaphore, #tpu.memory_space<semaphore_mem>>) src(%dma_wait3A_39 : memref<6144xf32, #tpu.memory_space<hbm>>) dst(%dma_wait3A_37 : memref<6144xf32, #tpu.memory_space<vmem_shared>>)
    %barrier3A = arith.constant 0 : index
    tpu.barrier barrier_id(%barrier3A)
    %dma_wait3A_40 = arith.constant 0 : i32
    %dma_wait3A_41 = arith.constant 0 : i32
    %dma_wait3A_42 = tpu.memref_slice %arg2[%add3A, %dma_wait3A_40, %dma_wait3A_41] : memref<32x4x128xi32, #tpu.memory_space<hbm>> -> memref<1x4x128xi32, #tpu.memory_space<hbm>>
    %dma_wait3A_43 = tpu.memref_squeeze %dma_wait3A_42 : memref<1x4x128xi32, #tpu.memory_space<hbm>> -> memref<4x128xi32, #tpu.memory_space<hbm>>
    %dma_wait3A_44 = arith.constant 0 : i32
    %dma_wait3A_45 = arith.constant 0 : i32
    %dma_wait3A_46 = tpu.memref_slice %arg2[%add3A, %dma_wait3A_44, %dma_wait3A_45] : memref<32x4x128xi32, #tpu.memory_space<hbm>> -> memref<1x4x128xi32, #tpu.memory_space<hbm>>
    %dma_wait3A_47 = tpu.memref_squeeze %dma_wait3A_46 : memref<1x4x128xi32, #tpu.memory_space<hbm>> -> memref<4x128xi32, #tpu.memory_space<hbm>>
    tpu.wait_dma2 semaphore(%arg15 : memref<!tpu.dma_semaphore, #tpu.memory_space<semaphore_mem>>) src(%dma_wait3A_47 : memref<4x128xi32, #tpu.memory_space<hbm>>) dst(%arg9 : memref<4x128xi32, #tpu.memory_space<vmem>>)
    %dma_wait3A_48 = arith.constant 0 : i32
    %dma_wait3A_49 = arith.constant 0 : i32
    %dma_wait3A_50 = tpu.memref_slice %arg3[%add3A, %dma_wait3A_48, %dma_wait3A_49] : memref<32x4x128xi32, #tpu.memory_space<hbm>> -> memref<1x4x128xi32, #tpu.memory_space<hbm>>
    %dma_wait3A_51 = tpu.memref_squeeze %dma_wait3A_50 : memref<1x4x128xi32, #tpu.memory_space<hbm>> -> memref<4x128xi32, #tpu.memory_space<hbm>>
    %dma_wait3A_52 = arith.constant 0 : i32
    %dma_wait3A_53 = arith.constant 0 : i32
    %dma_wait3A_54 = tpu.memref_slice %arg3[%add3A, %dma_wait3A_52, %dma_wait3A_53] : memref<32x4x128xi32, #tpu.memory_space<hbm>> -> memref<1x4x128xi32, #tpu.memory_space<hbm>>
    %dma_wait3A_55 = tpu.memref_squeeze %dma_wait3A_54 : memref<1x4x128xi32, #tpu.memory_space<hbm>> -> memref<4x128xi32, #tpu.memory_space<hbm>>
    tpu.wait_dma2 semaphore(%arg15 : memref<!tpu.dma_semaphore, #tpu.memory_space<semaphore_mem>>) src(%dma_wait3A_55 : memref<4x128xi32, #tpu.memory_space<hbm>>) dst(%arg10 : memref<4x128xi32, #tpu.memory_space<vmem>>)
    %dma_start3A_56 = arith.constant 0 : i32
    %dma_start3A_57 = arith.constant 0 : i32
    %dma_start3A_58 = arith.constant 0 : i32
    %dma_start3A_59 = tpu.memref_slice %arg11[%dma_start3A_57, %dma_start3A_58] : memref<4x128xf32, #tpu.memory_space<vmem>> -> memref<1x128xf32, #tpu.memory_space<vmem>>
    %dma_start3A_60 = tpu.memref_squeeze %dma_start3A_59 : memref<1x128xf32, #tpu.memory_space<vmem>> -> memref<128xf32, #tpu.memory_space<vmem>>
    %dma_start3A_61 = arith.constant 0 : i32
    %dma_start3A_62 = tpu.memref_slice %arg9[%dma_start3A_56, %dma_start3A_61] : memref<4x128xi32, #tpu.memory_space<vmem>> -> memref<1x128xi32, #tpu.memory_space<vmem>>
    %dma_start3A_63 = tpu.memref_squeeze %dma_start3A_62 : memref<1x128xi32, #tpu.memory_space<vmem>> -> memref<128xi32, #tpu.memory_space<vmem>>
    %dma_start3A_64 = arith.constant 0 : i32
    %dma_start3A_65 = tpu.memref_slice %arg13[%dma_start3A_64] : memref<100352xf32, #tpu.memory_space<vmem_shared>> -> memref<100352xf32, #tpu.memory_space<vmem_shared>>
    tpu.enqueue_indirect_dma source(%dma_start3A_65 : memref<100352xf32, #tpu.memory_space<vmem_shared>>) target(%dma_start3A_60 : memref<128xf32, #tpu.memory_space<vmem>>) offsets(%dma_start3A_63 : memref<128xi32, #tpu.memory_space<vmem>>) semaphore(%arg15 : memref<!tpu.dma_semaphore, #tpu.memory_space<semaphore_mem>>)
    %dma_start3A_66 = arith.constant 0 : i32
    %dma_start3A_67 = arith.constant 0 : i32
    %dma_start3A_68 = arith.constant 0 : i32
    %dma_start3A_69 = tpu.memref_slice %arg12[%dma_start3A_67, %dma_start3A_68] : memref<4x128xf32, #tpu.memory_space<vmem>> -> memref<1x128xf32, #tpu.memory_space<vmem>>
    %dma_start3A_70 = tpu.memref_squeeze %dma_start3A_69 : memref<1x128xf32, #tpu.memory_space<vmem>> -> memref<128xf32, #tpu.memory_space<vmem>>
    %dma_start3A_71 = arith.constant 0 : i32
    %dma_start3A_72 = tpu.memref_slice %arg10[%dma_start3A_66, %dma_start3A_71] : memref<4x128xi32, #tpu.memory_space<vmem>> -> memref<1x128xi32, #tpu.memory_space<vmem>>
    %dma_start3A_73 = tpu.memref_squeeze %dma_start3A_72 : memref<1x128xi32, #tpu.memory_space<vmem>> -> memref<128xi32, #tpu.memory_space<vmem>>
    %dma_start3A_74 = arith.constant 0 : i32
    %dma_start3A_75 = tpu.memref_slice %arg14[%dma_start3A_74] : memref<100352xf32, #tpu.memory_space<vmem_shared>> -> memref<100352xf32, #tpu.memory_space<vmem_shared>>
    tpu.enqueue_indirect_dma source(%dma_start3A_75 : memref<100352xf32, #tpu.memory_space<vmem_shared>>) target(%dma_start3A_70 : memref<128xf32, #tpu.memory_space<vmem>>) offsets(%dma_start3A_73 : memref<128xi32, #tpu.memory_space<vmem>>) semaphore(%arg15 : memref<!tpu.dma_semaphore, #tpu.memory_space<semaphore_mem>>)
    %dma_start3A_76 = arith.constant 1 : i32
    %dma_start3A_77 = arith.constant 1 : i32
    %dma_start3A_78 = arith.constant 0 : i32
    %dma_start3A_79 = tpu.memref_slice %arg11[%dma_start3A_77, %dma_start3A_78] : memref<4x128xf32, #tpu.memory_space<vmem>> -> memref<1x128xf32, #tpu.memory_space<vmem>>
    %dma_start3A_80 = tpu.memref_squeeze %dma_start3A_79 : memref<1x128xf32, #tpu.memory_space<vmem>> -> memref<128xf32, #tpu.memory_space<vmem>>
    %dma_start3A_81 = arith.constant 0 : i32
    %dma_start3A_82 = tpu.memref_slice %arg9[%dma_start3A_76, %dma_start3A_81] : memref<4x128xi32, #tpu.memory_space<vmem>> -> memref<1x128xi32, #tpu.memory_space<vmem>>
    %dma_start3A_83 = tpu.memref_squeeze %dma_start3A_82 : memref<1x128xi32, #tpu.memory_space<vmem>> -> memref<128xi32, #tpu.memory_space<vmem>>
    %dma_start3A_84 = arith.constant 0 : i32
    %dma_start3A_85 = tpu.memref_slice %arg13[%dma_start3A_84] : memref<100352xf32, #tpu.memory_space<vmem_shared>> -> memref<100352xf32, #tpu.memory_space<vmem_shared>>
    tpu.enqueue_indirect_dma source(%dma_start3A_85 : memref<100352xf32, #tpu.memory_space<vmem_shared>>) target(%dma_start3A_80 : memref<128xf32, #tpu.memory_space<vmem>>) offsets(%dma_start3A_83 : memref<128xi32, #tpu.memory_space<vmem>>) semaphore(%arg15 : memref<!tpu.dma_semaphore, #tpu.memory_space<semaphore_mem>>)
    %dma_start3A_86 = arith.constant 1 : i32
    %dma_start3A_87 = arith.constant 1 : i32
    %dma_start3A_88 = arith.constant 0 : i32
    %dma_start3A_89 = tpu.memref_slice %arg12[%dma_start3A_87, %dma_start3A_88] : memref<4x128xf32, #tpu.memory_space<vmem>> -> memref<1x128xf32, #tpu.memory_space<vmem>>
    %dma_start3A_90 = tpu.memref_squeeze %dma_start3A_89 : memref<1x128xf32, #tpu.memory_space<vmem>> -> memref<128xf32, #tpu.memory_space<vmem>>
    %dma_start3A_91 = arith.constant 0 : i32
    %dma_start3A_92 = tpu.memref_slice %arg10[%dma_start3A_86, %dma_start3A_91] : memref<4x128xi32, #tpu.memory_space<vmem>> -> memref<1x128xi32, #tpu.memory_space<vmem>>
    %dma_start3A_93 = tpu.memref_squeeze %dma_start3A_92 : memref<1x128xi32, #tpu.memory_space<vmem>> -> memref<128xi32, #tpu.memory_space<vmem>>
    %dma_start3A_94 = arith.constant 0 : i32
    %dma_start3A_95 = tpu.memref_slice %arg14[%dma_start3A_94] : memref<100352xf32, #tpu.memory_space<vmem_shared>> -> memref<100352xf32, #tpu.memory_space<vmem_shared>>
    tpu.enqueue_indirect_dma source(%dma_start3A_95 : memref<100352xf32, #tpu.memory_space<vmem_shared>>) target(%dma_start3A_90 : memref<128xf32, #tpu.memory_space<vmem>>) offsets(%dma_start3A_93 : memref<128xi32, #tpu.memory_space<vmem>>) semaphore(%arg15 : memref<!tpu.dma_semaphore, #tpu.memory_space<semaphore_mem>>)
    %dma_start3A_96 = arith.constant 2 : i32
    %dma_start3A_97 = arith.constant 2 : i32
    %dma_start3A_98 = arith.constant 0 : i32
    %dma_start3A_99 = tpu.memref_slice %arg11[%dma_start3A_97, %dma_start3A_98] : memref<4x128xf32, #tpu.memory_space<vmem>> -> memref<1x128xf32, #tpu.memory_space<vmem>>
    %dma_start3A_100 = tpu.memref_squeeze %dma_start3A_99 : memref<1x128xf32, #tpu.memory_space<vmem>> -> memref<128xf32, #tpu.memory_space<vmem>>
    %dma_start3A_101 = arith.constant 0 : i32
    %dma_start3A_102 = tpu.memref_slice %arg9[%dma_start3A_96, %dma_start3A_101] : memref<4x128xi32, #tpu.memory_space<vmem>> -> memref<1x128xi32, #tpu.memory_space<vmem>>
    %dma_start3A_103 = tpu.memref_squeeze %dma_start3A_102 : memref<1x128xi32, #tpu.memory_space<vmem>> -> memref<128xi32, #tpu.memory_space<vmem>>
    %dma_start3A_104 = arith.constant 0 : i32
    %dma_start3A_105 = tpu.memref_slice %arg13[%dma_start3A_104] : memref<100352xf32, #tpu.memory_space<vmem_shared>> -> memref<100352xf32, #tpu.memory_space<vmem_shared>>
    tpu.enqueue_indirect_dma source(%dma_start3A_105 : memref<100352xf32, #tpu.memory_space<vmem_shared>>) target(%dma_start3A_100 : memref<128xf32, #tpu.memory_space<vmem>>) offsets(%dma_start3A_103 : memref<128xi32, #tpu.memory_space<vmem>>) semaphore(%arg15 : memref<!tpu.dma_semaphore, #tpu.memory_space<semaphore_mem>>)
    %dma_start3A_106 = arith.constant 2 : i32
    %dma_start3A_107 = arith.constant 2 : i32
    %dma_start3A_108 = arith.constant 0 : i32
    %dma_start3A_109 = tpu.memref_slice %arg12[%dma_start3A_107, %dma_start3A_108] : memref<4x128xf32, #tpu.memory_space<vmem>> -> memref<1x128xf32, #tpu.memory_space<vmem>>
    %dma_start3A_110 = tpu.memref_squeeze %dma_start3A_109 : memref<1x128xf32, #tpu.memory_space<vmem>> -> memref<128xf32, #tpu.memory_space<vmem>>
    %dma_start3A_111 = arith.constant 0 : i32
    %dma_start3A_112 = tpu.memref_slice %arg10[%dma_start3A_106, %dma_start3A_111] : memref<4x128xi32, #tpu.memory_space<vmem>> -> memref<1x128xi32, #tpu.memory_space<vmem>>
    %dma_start3A_113 = tpu.memref_squeeze %dma_start3A_112 : memref<1x128xi32, #tpu.memory_space<vmem>> -> memref<128xi32, #tpu.memory_space<vmem>>
    %dma_start3A_114 = arith.constant 0 : i32
    %dma_start3A_115 = tpu.memref_slice %arg14[%dma_start3A_114] : memref<100352xf32, #tpu.memory_space<vmem_shared>> -> memref<100352xf32, #tpu.memory_space<vmem_shared>>
    tpu.enqueue_indirect_dma source(%dma_start3A_115 : memref<100352xf32, #tpu.memory_space<vmem_shared>>) target(%dma_start3A_110 : memref<128xf32, #tpu.memory_space<vmem>>) offsets(%dma_start3A_113 : memref<128xi32, #tpu.memory_space<vmem>>) semaphore(%arg15 : memref<!tpu.dma_semaphore, #tpu.memory_space<semaphore_mem>>)
    %dma_start3A_116 = arith.constant 3 : i32
    %dma_start3A_117 = arith.constant 3 : i32
    %dma_start3A_118 = arith.constant 0 : i32
    %dma_start3A_119 = tpu.memref_slice %arg11[%dma_start3A_117, %dma_start3A_118] : memref<4x128xf32, #tpu.memory_space<vmem>> -> memref<1x128xf32, #tpu.memory_space<vmem>>
    %dma_start3A_120 = tpu.memref_squeeze %dma_start3A_119 : memref<1x128xf32, #tpu.memory_space<vmem>> -> memref<128xf32, #tpu.memory_space<vmem>>
    %dma_start3A_121 = arith.constant 0 : i32
    %dma_start3A_122 = tpu.memref_slice %arg9[%dma_start3A_116, %dma_start3A_121] : memref<4x128xi32, #tpu.memory_space<vmem>> -> memref<1x128xi32, #tpu.memory_space<vmem>>
    %dma_start3A_123 = tpu.memref_squeeze %dma_start3A_122 : memref<1x128xi32, #tpu.memory_space<vmem>> -> memref<128xi32, #tpu.memory_space<vmem>>
    %dma_start3A_124 = arith.constant 0 : i32
    %dma_start3A_125 = tpu.memref_slice %arg13[%dma_start3A_124] : memref<100352xf32, #tpu.memory_space<vmem_shared>> -> memref<100352xf32, #tpu.memory_space<vmem_shared>>
    tpu.enqueue_indirect_dma source(%dma_start3A_125 : memref<100352xf32, #tpu.memory_space<vmem_shared>>) target(%dma_start3A_120 : memref<128xf32, #tpu.memory_space<vmem>>) offsets(%dma_start3A_123 : memref<128xi32, #tpu.memory_space<vmem>>) semaphore(%arg15 : memref<!tpu.dma_semaphore, #tpu.memory_space<semaphore_mem>>)
    %dma_start3A_126 = arith.constant 3 : i32
    %dma_start3A_127 = arith.constant 3 : i32
    %dma_start3A_128 = arith.constant 0 : i32
    %dma_start3A_129 = tpu.memref_slice %arg12[%dma_start3A_127, %dma_start3A_128] : memref<4x128xf32, #tpu.memory_space<vmem>> -> memref<1x128xf32, #tpu.memory_space<vmem>>
    %dma_start3A_130 = tpu.memref_squeeze %dma_start3A_129 : memref<1x128xf32, #tpu.memory_space<vmem>> -> memref<128xf32, #tpu.memory_space<vmem>>
    %dma_start3A_131 = arith.constant 0 : i32
    %dma_start3A_132 = tpu.memref_slice %arg10[%dma_start3A_126, %dma_start3A_131] : memref<4x128xi32, #tpu.memory_space<vmem>> -> memref<1x128xi32, #tpu.memory_space<vmem>>
    %dma_start3A_133 = tpu.memref_squeeze %dma_start3A_132 : memref<1x128xi32, #tpu.memory_space<vmem>> -> memref<128xi32, #tpu.memory_space<vmem>>
    %dma_start3A_134 = arith.constant 0 : i32
    %dma_start3A_135 = tpu.memref_slice %arg14[%dma_start3A_134] : memref<100352xf32, #tpu.memory_space<vmem_shared>> -> memref<100352xf32, #tpu.memory_space<vmem_shared>>
    tpu.enqueue_indirect_dma source(%dma_start3A_135 : memref<100352xf32, #tpu.memory_space<vmem_shared>>) target(%dma_start3A_130 : memref<128xf32, #tpu.memory_space<vmem>>) offsets(%dma_start3A_133 : memref<128xi32, #tpu.memory_space<vmem>>) semaphore(%arg15 : memref<!tpu.dma_semaphore, #tpu.memory_space<semaphore_mem>>)
    %dma_wait3A_136 = arith.constant 0 : i32
    %dma_wait3A_137 = arith.constant 0 : i32
    %dma_wait3A_138 = arith.constant 0 : i32
    %dma_wait3A_139 = tpu.memref_slice %arg11[%dma_wait3A_137, %dma_wait3A_138] : memref<4x128xf32, #tpu.memory_space<vmem>> -> memref<1x128xf32, #tpu.memory_space<vmem>>
    %dma_wait3A_140 = tpu.memref_squeeze %dma_wait3A_139 : memref<1x128xf32, #tpu.memory_space<vmem>> -> memref<128xf32, #tpu.memory_space<vmem>>
    %dma_wait3A_141 = arith.constant 0 : i32
    %dma_wait3A_142 = tpu.memref_slice %arg9[%dma_wait3A_136, %dma_wait3A_141] : memref<4x128xi32, #tpu.memory_space<vmem>> -> memref<1x128xi32, #tpu.memory_space<vmem>>
    %dma_wait3A_143 = tpu.memref_squeeze %dma_wait3A_142 : memref<1x128xi32, #tpu.memory_space<vmem>> -> memref<128xi32, #tpu.memory_space<vmem>>
    %dma_wait3A_144 = arith.constant 0 : i32
    %dma_wait3A_145 = tpu.memref_slice %arg13[%dma_wait3A_144] : memref<100352xf32, #tpu.memory_space<vmem_shared>> -> memref<100352xf32, #tpu.memory_space<vmem_shared>>
    tpu.wait_indirect_dma semaphore(%arg15 : memref<!tpu.dma_semaphore, #tpu.memory_space<semaphore_mem>>) src(%dma_wait3A_145 : memref<100352xf32, #tpu.memory_space<vmem_shared>>) dst(%dma_wait3A_140 : memref<128xf32, #tpu.memory_space<vmem>>)
    %dma_wait3A_146 = arith.constant 0 : i32
    %dma_wait3A_147 = arith.constant 0 : i32
    %dma_wait3A_148 = arith.constant 0 : i32
    %dma_wait3A_149 = tpu.memref_slice %arg12[%dma_wait3A_147, %dma_wait3A_148] : memref<4x128xf32, #tpu.memory_space<vmem>> -> memref<1x128xf32, #tpu.memory_space<vmem>>
    %dma_wait3A_150 = tpu.memref_squeeze %dma_wait3A_149 : memref<1x128xf32, #tpu.memory_space<vmem>> -> memref<128xf32, #tpu.memory_space<vmem>>
    %dma_wait3A_151 = arith.constant 0 : i32
    %dma_wait3A_152 = tpu.memref_slice %arg10[%dma_wait3A_146, %dma_wait3A_151] : memref<4x128xi32, #tpu.memory_space<vmem>> -> memref<1x128xi32, #tpu.memory_space<vmem>>
    %dma_wait3A_153 = tpu.memref_squeeze %dma_wait3A_152 : memref<1x128xi32, #tpu.memory_space<vmem>> -> memref<128xi32, #tpu.memory_space<vmem>>
    %dma_wait3A_154 = arith.constant 0 : i32
    %dma_wait3A_155 = tpu.memref_slice %arg14[%dma_wait3A_154] : memref<100352xf32, #tpu.memory_space<vmem_shared>> -> memref<100352xf32, #tpu.memory_space<vmem_shared>>
    tpu.wait_indirect_dma semaphore(%arg15 : memref<!tpu.dma_semaphore, #tpu.memory_space<semaphore_mem>>) src(%dma_wait3A_155 : memref<100352xf32, #tpu.memory_space<vmem_shared>>) dst(%dma_wait3A_150 : memref<128xf32, #tpu.memory_space<vmem>>)
    %get3A = arith.constant 0 : i32
    %get3A_156 = arith.index_cast %get3A : i32 to index
    %get3A_157 = arith.constant 0 : index
    %get3A_158 = tpu.vector_load %arg11[%get3A_156, %get3A_157] {strides = array<i32>} : memref<4x128xf32, #tpu.memory_space<vmem>>, vector<1x16xf32>,
    %get3A_159 = vector.shape_cast %get3A_158 : vector<1x16xf32> to vector<16xf32>
    %get3A_160 = arith.constant 0 : i32
    %get3A_161 = arith.index_cast %get3A_160 : i32 to index
    %get3A_162 = arith.constant 0 : index
    %get3A_163 = tpu.vector_load %arg12[%get3A_161, %get3A_162] {strides = array<i32>} : memref<4x128xf32, #tpu.memory_space<vmem>>, vector<1x16xf32>,
    %get3A_164 = vector.shape_cast %get3A_163 : vector<1x16xf32> to vector<16xf32>
    %sub3A = arith.subf %get3A_159, %get3A_164 : vector<16xf32>
    %swap3A = arith.constant 0 : i32
    %swap3A_165 = arith.index_cast %swap3A : i32 to index
    %swap3A_166 = arith.constant 0 : index
    %swap3A_167 = tpu.vector_load %arg11[%swap3A_165, %swap3A_166] {strides = array<i32>} : memref<4x128xf32, #tpu.memory_space<vmem>>, vector<1x16xf32>,
    %swap3A_168 = vector.shape_cast %swap3A_167 : vector<1x16xf32> to vector<16xf32>
    %swap3A_169 = vector.shape_cast %sub3A : vector<16xf32> to vector<1x16xf32>
    tpu.vector_store %arg11[%swap3A_165, %swap3A_166], %swap3A_169 {strides = array<i32>} : memref<4x128xf32, #tpu.memory_space<vmem>>, vector<1x16xf32>,
    %get3A_170 = arith.constant 0 : i32
    %get3A_171 = arith.index_cast %get3A_170 : i32 to index
    %get3A_172 = arith.constant 16 : index
    %get3A_173 = tpu.vector_load %arg11[%get3A_171, %get3A_172] {strides = array<i32>} : memref<4x128xf32, #tpu.memory_space<vmem>>, vector<1x16xf32>,
    %get3A_174 = vector.shape_cast %get3A_173 : vector<1x16xf32> to vector<16xf32>
    %get3A_175 = arith.constant 0 : i32
    %get3A_176 = arith.index_cast %get3A_175 : i32 to index
    %get3A_177 = arith.constant 16 : index
    %get3A_178 = tpu.vector_load %arg12[%get3A_176, %get3A_177] {strides = array<i32>} : memref<4x128xf32, #tpu.memory_space<vmem>>, vector<1x16xf32>,
    %get3A_179 = vector.shape_cast %get3A_178 : vector<1x16xf32> to vector<16xf32>
    %sub3A_180 = arith.subf %get3A_174, %get3A_179 : vector<16xf32>
    %swap3A_181 = arith.constant 0 : i32
    %swap3A_182 = arith.index_cast %swap3A_181 : i32 to index
    %swap3A_183 = arith.constant 16 : index
    %swap3A_184 = tpu.vector_load %arg11[%swap3A_182, %swap3A_183] {strides = array<i32>} : memref<4x128xf32, #tpu.memory_space<vmem>>, vector<1x16xf32>,
    %swap3A_185 = vector.shape_cast %swap3A_184 : vector<1x16xf32> to vector<16xf32>
    %swap3A_186 = vector.shape_cast %sub3A_180 : vector<16xf32> to vector<1x16xf32>
    tpu.vector_store %arg11[%swap3A_182, %swap3A_183], %swap3A_186 {strides = array<i32>} : memref<4x128xf32, #tpu.memory_space<vmem>>, vector<1x16xf32>,
    %get3A_187 = arith.constant 0 : i32
    %get3A_188 = arith.index_cast %get3A_187 : i32 to index
    %get3A_189 = arith.constant 32 : index
    %get3A_190 = tpu.vector_load %arg11[%get3A_188, %get3A_189] {strides = array<i32>} : memref<4x128xf32, #tpu.memory_space<vmem>>, vector<1x16xf32>,
    %get3A_191 = vector.shape_cast %get3A_190 : vector<1x16xf32> to vector<16xf32>
    %get3A_192 = arith.constant 0 : i32
    %get3A_193 = arith.index_cast %get3A_192 : i32 to index
    %get3A_194 = arith.constant 32 : index
    %get3A_195 = tpu.vector_load %arg12[%get3A_193, %get3A_194] {strides = array<i32>} : memref<4x128xf32, #tpu.memory_space<vmem>>, vector<1x16xf32>,
    %get3A_196 = vector.shape_cast %get3A_195 : vector<1x16xf32> to vector<16xf32>
    %sub3A_197 = arith.subf %get3A_191, %get3A_196 : vector<16xf32>
    %swap3A_198 = arith.constant 0 : i32
    %swap3A_199 = arith.index_cast %swap3A_198 : i32 to index
    %swap3A_200 = arith.constant 32 : index
    %swap3A_201 = tpu.vector_load %arg11[%swap3A_199, %swap3A_200] {strides = array<i32>} : memref<4x128xf32, #tpu.memory_space<vmem>>, vector<1x16xf32>,
    %swap3A_202 = vector.shape_cast %swap3A_201 : vector<1x16xf32> to vector<16xf32>
    %swap3A_203 = vector.shape_cast %sub3A_197 : vector<16xf32> to vector<1x16xf32>
    tpu.vector_store %arg11[%swap3A_199, %swap3A_200], %swap3A_203 {strides = array<i32>} : memref<4x128xf32, #tpu.memory_space<vmem>>, vector<1x16xf32>,
    %get3A_204 = arith.constant 0 : i32
    %get3A_205 = arith.index_cast %get3A_204 : i32 to index
    %get3A_206 = arith.constant 48 : index
    %get3A_207 = tpu.vector_load %arg11[%get3A_205, %get3A_206] {strides = array<i32>} : memref<4x128xf32, #tpu.memory_space<vmem>>, vector<1x16xf32>,
    %get3A_208 = vector.shape_cast %get3A_207 : vector<1x16xf32> to vector<16xf32>
    %get3A_209 = arith.constant 0 : i32
    %get3A_210 = arith.index_cast %get3A_209 : i32 to index
    %get3A_211 = arith.constant 48 : index
    %get3A_212 = tpu.vector_load %arg12[%get3A_210, %get3A_211] {strides = array<i32>} : memref<4x128xf32, #tpu.memory_space<vmem>>, vector<1x16xf32>,
    %get3A_213 = vector.shape_cast %get3A_212 : vector<1x16xf32> to vector<16xf32>
    %sub3A_214 = arith.subf %get3A_208, %get3A_213 : vector<16xf32>
    %swap3A_215 = arith.constant 0 : i32
    %swap3A_216 = arith.index_cast %swap3A_215 : i32 to index
    %swap3A_217 = arith.constant 48 : index
    %swap3A_218 = tpu.vector_load %arg11[%swap3A_216, %swap3A_217] {strides = array<i32>} : memref<4x128xf32, #tpu.memory_space<vmem>>, vector<1x16xf32>,
    %swap3A_219 = vector.shape_cast %swap3A_218 : vector<1x16xf32> to vector<16xf32>
    %swap3A_220 = vector.shape_cast %sub3A_214 : vector<16xf32> to vector<1x16xf32>
    tpu.vector_store %arg11[%swap3A_216, %swap3A_217], %swap3A_220 {strides = array<i32>} : memref<4x128xf32, #tpu.memory_space<vmem>>, vector<1x16xf32>,
    %get3A_221 = arith.constant 0 : i32
    %get3A_222 = arith.index_cast %get3A_221 : i32 to index
    %get3A_223 = arith.constant 64 : index
    %get3A_224 = tpu.vector_load %arg11[%get3A_222, %get3A_223] {strides = array<i32>} : memref<4x128xf32, #tpu.memory_space<vmem>>, vector<1x16xf32>,
    %get3A_225 = vector.shape_cast %get3A_224 : vector<1x16xf32> to vector<16xf32>
    %get3A_226 = arith.constant 0 : i32
    %get3A_227 = arith.index_cast %get3A_226 : i32 to index
    %get3A_228 = arith.constant 64 : index
    %get3A_229 = tpu.vector_load %arg12[%get3A_227, %get3A_228] {strides = array<i32>} : memref<4x128xf32, #tpu.memory_space<vmem>>, vector<1x16xf32>,
    %get3A_230 = vector.shape_cast %get3A_229 : vector<1x16xf32> to vector<16xf32>
    %sub3A_231 = arith.subf %get3A_225, %get3A_230 : vector<16xf32>
    %swap3A_232 = arith.constant 0 : i32
    %swap3A_233 = arith.index_cast %swap3A_232 : i32 to index
    %swap3A_234 = arith.constant 64 : index
    %swap3A_235 = tpu.vector_load %arg11[%swap3A_233, %swap3A_234] {strides = array<i32>} : memref<4x128xf32, #tpu.memory_space<vmem>>, vector<1x16xf32>,
    %swap3A_236 = vector.shape_cast %swap3A_235 : vector<1x16xf32> to vector<16xf32>
    %swap3A_237 = vector.shape_cast %sub3A_231 : vector<16xf32> to vector<1x16xf32>
    tpu.vector_store %arg11[%swap3A_233, %swap3A_234], %swap3A_237 {strides = array<i32>} : memref<4x128xf32, #tpu.memory_space<vmem>>, vector<1x16xf32>,
    %get3A_238 = arith.constant 0 : i32
    %get3A_239 = arith.index_cast %get3A_238 : i32 to index
    %get3A_240 = arith.constant 80 : index
    %get3A_241 = tpu.vector_load %arg11[%get3A_239, %get3A_240] {strides = array<i32>} : memref<4x128xf32, #tpu.memory_space<vmem>>, vector<1x16xf32>,
    %get3A_242 = vector.shape_cast %get3A_241 : vector<1x16xf32> to vector<16xf32>
    %get3A_243 = arith.constant 0 : i32
    %get3A_244 = arith.index_cast %get3A_243 : i32 to index
    %get3A_245 = arith.constant 80 : index
    %get3A_246 = tpu.vector_load %arg12[%get3A_244, %get3A_245] {strides = array<i32>} : memref<4x128xf32, #tpu.memory_space<vmem>>, vector<1x16xf32>,
    %get3A_247 = vector.shape_cast %get3A_246 : vector<1x16xf32> to vector<16xf32>
    %sub3A_248 = arith.subf %get3A_242, %get3A_247 : vector<16xf32>
    %swap3A_249 = arith.constant 0 : i32
    %swap3A_250 = arith.index_cast %swap3A_249 : i32 to index
    %swap3A_251 = arith.constant 80 : index
    %swap3A_252 = tpu.vector_load %arg11[%swap3A_250, %swap3A_251] {strides = array<i32>} : memref<4x128xf32, #tpu.memory_space<vmem>>, vector<1x16xf32>,
    %swap3A_253 = vector.shape_cast %swap3A_252 : vector<1x16xf32> to vector<16xf32>
    %swap3A_254 = vector.shape_cast %sub3A_248 : vector<16xf32> to vector<1x16xf32>
    tpu.vector_store %arg11[%swap3A_250, %swap3A_251], %swap3A_254 {strides = array<i32>} : memref<4x128xf32, #tpu.memory_space<vmem>>, vector<1x16xf32>,
    %get3A_255 = arith.constant 0 : i32
    %get3A_256 = arith.index_cast %get3A_255 : i32 to index
    %get3A_257 = arith.constant 96 : index
    %get3A_258 = tpu.vector_load %arg11[%get3A_256, %get3A_257] {strides = array<i32>} : memref<4x128xf32, #tpu.memory_space<vmem>>, vector<1x16xf32>,
    %get3A_259 = vector.shape_cast %get3A_258 : vector<1x16xf32> to vector<16xf32>
    %get3A_260 = arith.constant 0 : i32
    %get3A_261 = arith.index_cast %get3A_260 : i32 to index
    %get3A_262 = arith.constant 96 : index
    %get3A_263 = tpu.vector_load %arg12[%get3A_261, %get3A_262] {strides = array<i32>} : memref<4x128xf32, #tpu.memory_space<vmem>>, vector<1x16xf32>,
    %get3A_264 = vector.shape_cast %get3A_263 : vector<1x16xf32> to vector<16xf32>
    %sub3A_265 = arith.subf %get3A_259, %get3A_264 : vector<16xf32>
    %swap3A_266 = arith.constant 0 : i32
    %swap3A_267 = arith.index_cast %swap3A_266 : i32 to index
    %swap3A_268 = arith.constant 96 : index
    %swap3A_269 = tpu.vector_load %arg11[%swap3A_267, %swap3A_268] {strides = array<i32>} : memref<4x128xf32, #tpu.memory_space<vmem>>, vector<1x16xf32>,
    %swap3A_270 = vector.shape_cast %swap3A_269 : vector<1x16xf32> to vector<16xf32>
    %swap3A_271 = vector.shape_cast %sub3A_265 : vector<16xf32> to vector<1x16xf32>
    tpu.vector_store %arg11[%swap3A_267, %swap3A_268], %swap3A_271 {strides = array<i32>} : memref<4x128xf32, #tpu.memory_space<vmem>>, vector<1x16xf32>,
    %get3A_272 = arith.constant 0 : i32
    %get3A_273 = arith.index_cast %get3A_272 : i32 to index
    %get3A_274 = arith.constant 112 : index
    %get3A_275 = tpu.vector_load %arg11[%get3A_273, %get3A_274] {strides = array<i32>} : memref<4x128xf32, #tpu.memory_space<vmem>>, vector<1x16xf32>,
    %get3A_276 = vector.shape_cast %get3A_275 : vector<1x16xf32> to vector<16xf32>
    %get3A_277 = arith.constant 0 : i32
    %get3A_278 = arith.index_cast %get3A_277 : i32 to index
    %get3A_279 = arith.constant 112 : index
    %get3A_280 = tpu.vector_load %arg12[%get3A_278, %get3A_279] {strides = array<i32>} : memref<4x128xf32, #tpu.memory_space<vmem>>, vector<1x16xf32>,
    %get3A_281 = vector.shape_cast %get3A_280 : vector<1x16xf32> to vector<16xf32>
    %sub3A_282 = arith.subf %get3A_276, %get3A_281 : vector<16xf32>
    %swap3A_283 = arith.constant 0 : i32
    %swap3A_284 = arith.index_cast %swap3A_283 : i32 to index
    %swap3A_285 = arith.constant 112 : index
    %swap3A_286 = tpu.vector_load %arg11[%swap3A_284, %swap3A_285] {strides = array<i32>} : memref<4x128xf32, #tpu.memory_space<vmem>>, vector<1x16xf32>,
    %swap3A_287 = vector.shape_cast %swap3A_286 : vector<1x16xf32> to vector<16xf32>
    %swap3A_288 = vector.shape_cast %sub3A_282 : vector<16xf32> to vector<1x16xf32>
    tpu.vector_store %arg11[%swap3A_284, %swap3A_285], %swap3A_288 {strides = array<i32>} : memref<4x128xf32, #tpu.memory_space<vmem>>, vector<1x16xf32>,
    %dma_start3A_289 = arith.constant 0 : i32
    %dma_start3A_290 = arith.constant 0 : i32
    %dma_start3A_291 = arith.constant 0 : i32
    %dma_start3A_292 = tpu.memref_slice %arg11[%dma_start3A_289, %dma_start3A_291] : memref<4x128xf32, #tpu.memory_space<vmem>> -> memref<1x128xf32, #tpu.memory_space<vmem>>
    %dma_start3A_293 = tpu.memref_squeeze %dma_start3A_292 : memref<1x128xf32, #tpu.memory_space<vmem>> -> memref<128xf32, #tpu.memory_space<vmem>>
    %dma_start3A_294 = arith.constant 0 : i32
    %dma_start3A_295 = arith.constant 0 : i32
    %dma_start3A_296 = tpu.memref_slice %arg8[%add3A, %dma_start3A_294, %dma_start3A_295] : memref<32x4x128xf32, #tpu.memory_space<hbm>> -> memref<1x4x128xf32, #tpu.memory_space<hbm>>
    %dma_start3A_297 = tpu.memref_squeeze %dma_start3A_296 : memref<1x4x128xf32, #tpu.memory_space<hbm>> -> memref<4x128xf32, #tpu.memory_space<hbm>>
    %dma_start3A_298 = arith.constant 0 : i32
    %dma_start3A_299 = tpu.memref_slice %dma_start3A_297[%dma_start3A_290, %dma_start3A_298] : memref<4x128xf32, #tpu.memory_space<hbm>> -> memref<1x128xf32, #tpu.memory_space<hbm>>
    %dma_start3A_300 = tpu.memref_squeeze %dma_start3A_299 : memref<1x128xf32, #tpu.memory_space<hbm>> -> memref<128xf32, #tpu.memory_space<hbm>>
    %dma_start3A_301 = arith.constant 0 : i32
    %dma_start3A_302 = arith.constant 0 : i32
    %dma_start3A_303 = tpu.memref_slice %arg8[%add3A, %dma_start3A_301, %dma_start3A_302] : memref<32x4x128xf32, #tpu.memory_space<hbm>> -> memref<1x4x128xf32, #tpu.memory_space<hbm>>
    %dma_start3A_304 = tpu.memref_squeeze %dma_start3A_303 : memref<1x4x128xf32, #tpu.memory_space<hbm>> -> memref<4x128xf32, #tpu.memory_space<hbm>>
    %dma_start3A_305 = arith.constant 0 : i32
    %dma_start3A_306 = tpu.memref_slice %dma_start3A_304[%dma_start3A_290, %dma_start3A_305] : memref<4x128xf32, #tpu.memory_space<hbm>> -> memref<1x128xf32, #tpu.memory_space<hbm>>
    %dma_start3A_307 = tpu.memref_squeeze %dma_start3A_306 : memref<1x128xf32, #tpu.memory_space<hbm>> -> memref<128xf32, #tpu.memory_space<hbm>>
    %dma_start3A_308 = arith.constant 0 : i32
    %dma_start3A_309 = tpu.memref_slice %arg11[%dma_start3A_289, %dma_start3A_308] : memref<4x128xf32, #tpu.memory_space<vmem>> -> memref<1x128xf32, #tpu.memory_space<vmem>>
    %dma_start3A_310 = tpu.memref_squeeze %dma_start3A_309 : memref<1x128xf32, #tpu.memory_space<vmem>> -> memref<128xf32, #tpu.memory_space<vmem>>
    tpu.enqueue_dma source(%dma_start3A_310 : memref<128xf32, #tpu.memory_space<vmem>>) target(%dma_start3A_307 : memref<128xf32, #tpu.memory_space<hbm>>) target_semaphore(%arg15 : memref<!tpu.dma_semaphore, #tpu.memory_space<semaphore_mem>>)
    %dma_wait3A_311 = arith.constant 1 : i32
    %dma_wait3A_312 = arith.constant 1 : i32
    %dma_wait3A_313 = arith.constant 0 : i32
    %dma_wait3A_314 = tpu.memref_slice %arg11[%dma_wait3A_312, %dma_wait3A_313] : memref<4x128xf32, #tpu.memory_space<vmem>> -> memref<1x128xf32, #tpu.memory_space<vmem>>
    %dma_wait3A_315 = tpu.memref_squeeze %dma_wait3A_314 : memref<1x128xf32, #tpu.memory_space<vmem>> -> memref<128xf32, #tpu.memory_space<vmem>>
    %dma_wait3A_316 = arith.constant 0 : i32
    %dma_wait3A_317 = tpu.memref_slice %arg9[%dma_wait3A_311, %dma_wait3A_316] : memref<4x128xi32, #tpu.memory_space<vmem>> -> memref<1x128xi32, #tpu.memory_space<vmem>>
    %dma_wait3A_318 = tpu.memref_squeeze %dma_wait3A_317 : memref<1x128xi32, #tpu.memory_space<vmem>> -> memref<128xi32, #tpu.memory_space<vmem>>
    %dma_wait3A_319 = arith.constant 0 : i32
    %dma_wait3A_320 = tpu.memref_slice %arg13[%dma_wait3A_319] : memref<100352xf32, #tpu.memory_space<vmem_shared>> -> memref<100352xf32, #tpu.memory_space<vmem_shared>>
    tpu.wait_indirect_dma semaphore(%arg15 : memref<!tpu.dma_semaphore, #tpu.memory_space<semaphore_mem>>) src(%dma_wait3A_320 : memref<100352xf32, #tpu.memory_space<vmem_shared>>) dst(%dma_wait3A_315 : memref<128xf32, #tpu.memory_space<vmem>>)
    %dma_wait3A_321 = arith.constant 1 : i32
    %dma_wait3A_322 = arith.constant 1 : i32
    %dma_wait3A_323 = arith.constant 0 : i32
    %dma_wait3A_324 = tpu.memref_slice %arg12[%dma_wait3A_322, %dma_wait3A_323] : memref<4x128xf32, #tpu.memory_space<vmem>> -> memref<1x128xf32, #tpu.memory_space<vmem>>
    %dma_wait3A_325 = tpu.memref_squeeze %dma_wait3A_324 : memref<1x128xf32, #tpu.memory_space<vmem>> -> memref<128xf32, #tpu.memory_space<vmem>>
    %dma_wait3A_326 = arith.constant 0 : i32
    %dma_wait3A_327 = tpu.memref_slice %arg10[%dma_wait3A_321, %dma_wait3A_326] : memref<4x128xi32, #tpu.memory_space<vmem>> -> memref<1x128xi32, #tpu.memory_space<vmem>>
    %dma_wait3A_328 = tpu.memref_squeeze %dma_wait3A_327 : memref<1x128xi32, #tpu.memory_space<vmem>> -> memref<128xi32, #tpu.memory_space<vmem>>
    %dma_wait3A_329 = arith.constant 0 : i32
    %dma_wait3A_330 = tpu.memref_slice %arg14[%dma_wait3A_329] : memref<100352xf32, #tpu.memory_space<vmem_shared>> -> memref<100352xf32, #tpu.memory_space<vmem_shared>>
    tpu.wait_indirect_dma semaphore(%arg15 : memref<!tpu.dma_semaphore, #tpu.memory_space<semaphore_mem>>) src(%dma_wait3A_330 : memref<100352xf32, #tpu.memory_space<vmem_shared>>) dst(%dma_wait3A_325 : memref<128xf32, #tpu.memory_space<vmem>>)
    %get3A_331 = arith.constant 1 : i32
    %get3A_332 = arith.index_cast %get3A_331 : i32 to index
    %get3A_333 = arith.constant 0 : index
    %get3A_334 = tpu.vector_load %arg11[%get3A_332, %get3A_333] {strides = array<i32>} : memref<4x128xf32, #tpu.memory_space<vmem>>, vector<1x16xf32>,
    %get3A_335 = vector.shape_cast %get3A_334 : vector<1x16xf32> to vector<16xf32>
    %get3A_336 = arith.constant 1 : i32
    %get3A_337 = arith.index_cast %get3A_336 : i32 to index
    %get3A_338 = arith.constant 0 : index
    %get3A_339 = tpu.vector_load %arg12[%get3A_337, %get3A_338] {strides = array<i32>} : memref<4x128xf32, #tpu.memory_space<vmem>>, vector<1x16xf32>,
    %get3A_340 = vector.shape_cast %get3A_339 : vector<1x16xf32> to vector<16xf32>
    %sub3A_341 = arith.subf %get3A_335, %get3A_340 : vector<16xf32>
    %swap3A_342 = arith.constant 1 : i32
    %swap3A_343 = arith.index_cast %swap3A_342 : i32 to index
    %swap3A_344 = arith.constant 0 : index
    %swap3A_345 = tpu.vector_load %arg11[%swap3A_343, %swap3A_344] {strides = array<i32>} : memref<4x128xf32, #tpu.memory_space<vmem>>, vector<1x16xf32>,
    %swap3A_346 = vector.shape_cast %swap3A_345 : vector<1x16xf32> to vector<16xf32>
    %swap3A_347 = vector.shape_cast %sub3A_341 : vector<16xf32> to vector<1x16xf32>
    tpu.vector_store %arg11[%swap3A_343, %swap3A_344], %swap3A_347 {strides = array<i32>} : memref<4x128xf32, #tpu.memory_space<vmem>>, vector<1x16xf32>,
    %get3A_348 = arith.constant 1 : i32
    %get3A_349 = arith.index_cast %get3A_348 : i32 to index
    %get3A_350 = arith.constant 16 : index
    %get3A_351 = tpu.vector_load %arg11[%get3A_349, %get3A_350] {strides = array<i32>} : memref<4x128xf32, #tpu.memory_space<vmem>>, vector<1x16xf32>,
    %get3A_352 = vector.shape_cast %get3A_351 : vector<1x16xf32> to vector<16xf32>
    %get3A_353 = arith.constant 1 : i32
    %get3A_354 = arith.index_cast %get3A_353 : i32 to index
    %get3A_355 = arith.constant 16 : index
    %get3A_356 = tpu.vector_load %arg12[%get3A_354, %get3A_355] {strides = array<i32>} : memref<4x128xf32, #tpu.memory_space<vmem>>, vector<1x16xf32>,
    %get3A_357 = vector.shape_cast %get3A_356 : vector<1x16xf32> to vector<16xf32>
    %sub3A_358 = arith.subf %get3A_352, %get3A_357 : vector<16xf32>
    %swap3A_359 = arith.constant 1 : i32
    %swap3A_360 = arith.index_cast %swap3A_359 : i32 to index
    %swap3A_361 = arith.constant 16 : index
    %swap3A_362 = tpu.vector_load %arg11[%swap3A_360, %swap3A_361] {strides = array<i32>} : memref<4x128xf32, #tpu.memory_space<vmem>>, vector<1x16xf32>,
    %swap3A_363 = vector.shape_cast %swap3A_362 : vector<1x16xf32> to vector<16xf32>
    %swap3A_364 = vector.shape_cast %sub3A_358 : vector<16xf32> to vector<1x16xf32>
    tpu.vector_store %arg11[%swap3A_360, %swap3A_361], %swap3A_364 {strides = array<i32>} : memref<4x128xf32, #tpu.memory_space<vmem>>, vector<1x16xf32>,
    %get3A_365 = arith.constant 1 : i32
    %get3A_366 = arith.index_cast %get3A_365 : i32 to index
    %get3A_367 = arith.constant 32 : index
    %get3A_368 = tpu.vector_load %arg11[%get3A_366, %get3A_367] {strides = array<i32>} : memref<4x128xf32, #tpu.memory_space<vmem>>, vector<1x16xf32>,
    %get3A_369 = vector.shape_cast %get3A_368 : vector<1x16xf32> to vector<16xf32>
    %get3A_370 = arith.constant 1 : i32
    %get3A_371 = arith.index_cast %get3A_370 : i32 to index
    %get3A_372 = arith.constant 32 : index
    %get3A_373 = tpu.vector_load %arg12[%get3A_371, %get3A_372] {strides = array<i32>} : memref<4x128xf32, #tpu.memory_space<vmem>>, vector<1x16xf32>,
    %get3A_374 = vector.shape_cast %get3A_373 : vector<1x16xf32> to vector<16xf32>
    %sub3A_375 = arith.subf %get3A_369, %get3A_374 : vector<16xf32>
    %swap3A_376 = arith.constant 1 : i32
    %swap3A_377 = arith.index_cast %swap3A_376 : i32 to index
    %swap3A_378 = arith.constant 32 : index
    %swap3A_379 = tpu.vector_load %arg11[%swap3A_377, %swap3A_378] {strides = array<i32>} : memref<4x128xf32, #tpu.memory_space<vmem>>, vector<1x16xf32>,
    %swap3A_380 = vector.shape_cast %swap3A_379 : vector<1x16xf32> to vector<16xf32>
    %swap3A_381 = vector.shape_cast %sub3A_375 : vector<16xf32> to vector<1x16xf32>
    tpu.vector_store %arg11[%swap3A_377, %swap3A_378], %swap3A_381 {strides = array<i32>} : memref<4x128xf32, #tpu.memory_space<vmem>>, vector<1x16xf32>,
    %get3A_382 = arith.constant 1 : i32
    %get3A_383 = arith.index_cast %get3A_382 : i32 to index
    %get3A_384 = arith.constant 48 : index
    %get3A_385 = tpu.vector_load %arg11[%get3A_383, %get3A_384] {strides = array<i32>} : memref<4x128xf32, #tpu.memory_space<vmem>>, vector<1x16xf32>,
    %get3A_386 = vector.shape_cast %get3A_385 : vector<1x16xf32> to vector<16xf32>
    %get3A_387 = arith.constant 1 : i32
    %get3A_388 = arith.index_cast %get3A_387 : i32 to index
    %get3A_389 = arith.constant 48 : index
    %get3A_390 = tpu.vector_load %arg12[%get3A_388, %get3A_389] {strides = array<i32>} : memref<4x128xf32, #tpu.memory_space<vmem>>, vector<1x16xf32>,
    %get3A_391 = vector.shape_cast %get3A_390 : vector<1x16xf32> to vector<16xf32>
    %sub3A_392 = arith.subf %get3A_386, %get3A_391 : vector<16xf32>
    %swap3A_393 = arith.constant 1 : i32
    %swap3A_394 = arith.index_cast %swap3A_393 : i32 to index
    %swap3A_395 = arith.constant 48 : index
    %swap3A_396 = tpu.vector_load %arg11[%swap3A_394, %swap3A_395] {strides = array<i32>} : memref<4x128xf32, #tpu.memory_space<vmem>>, vector<1x16xf32>,
    %swap3A_397 = vector.shape_cast %swap3A_396 : vector<1x16xf32> to vector<16xf32>
    %swap3A_398 = vector.shape_cast %sub3A_392 : vector<16xf32> to vector<1x16xf32>
    tpu.vector_store %arg11[%swap3A_394, %swap3A_395], %swap3A_398 {strides = array<i32>} : memref<4x128xf32, #tpu.memory_space<vmem>>, vector<1x16xf32>,
    %get3A_399 = arith.constant 1 : i32
    %get3A_400 = arith.index_cast %get3A_399 : i32 to index
    %get3A_401 = arith.constant 64 : index
    %get3A_402 = tpu.vector_load %arg11[%get3A_400, %get3A_401] {strides = array<i32>} : memref<4x128xf32, #tpu.memory_space<vmem>>, vector<1x16xf32>,
    %get3A_403 = vector.shape_cast %get3A_402 : vector<1x16xf32> to vector<16xf32>
    %get3A_404 = arith.constant 1 : i32
    %get3A_405 = arith.index_cast %get3A_404 : i32 to index
    %get3A_406 = arith.constant 64 : index
    %get3A_407 = tpu.vector_load %arg12[%get3A_405, %get3A_406] {strides = array<i32>} : memref<4x128xf32, #tpu.memory_space<vmem>>, vector<1x16xf32>,
    %get3A_408 = vector.shape_cast %get3A_407 : vector<1x16xf32> to vector<16xf32>
    %sub3A_409 = arith.subf %get3A_403, %get3A_408 : vector<16xf32>
    %swap3A_410 = arith.constant 1 : i32
    %swap3A_411 = arith.index_cast %swap3A_410 : i32 to index
    %swap3A_412 = arith.constant 64 : index
    %swap3A_413 = tpu.vector_load %arg11[%swap3A_411, %swap3A_412] {strides = array<i32>} : memref<4x128xf32, #tpu.memory_space<vmem>>, vector<1x16xf32>,
    %swap3A_414 = vector.shape_cast %swap3A_413 : vector<1x16xf32> to vector<16xf32>
    %swap3A_415 = vector.shape_cast %sub3A_409 : vector<16xf32> to vector<1x16xf32>
    tpu.vector_store %arg11[%swap3A_411, %swap3A_412], %swap3A_415 {strides = array<i32>} : memref<4x128xf32, #tpu.memory_space<vmem>>, vector<1x16xf32>,
    %get3A_416 = arith.constant 1 : i32
    %get3A_417 = arith.index_cast %get3A_416 : i32 to index
    %get3A_418 = arith.constant 80 : index
    %get3A_419 = tpu.vector_load %arg11[%get3A_417, %get3A_418] {strides = array<i32>} : memref<4x128xf32, #tpu.memory_space<vmem>>, vector<1x16xf32>,
    %get3A_420 = vector.shape_cast %get3A_419 : vector<1x16xf32> to vector<16xf32>
    %get3A_421 = arith.constant 1 : i32
    %get3A_422 = arith.index_cast %get3A_421 : i32 to index
    %get3A_423 = arith.constant 80 : index
    %get3A_424 = tpu.vector_load %arg12[%get3A_422, %get3A_423] {strides = array<i32>} : memref<4x128xf32, #tpu.memory_space<vmem>>, vector<1x16xf32>,
    %get3A_425 = vector.shape_cast %get3A_424 : vector<1x16xf32> to vector<16xf32>
    %sub3A_426 = arith.subf %get3A_420, %get3A_425 : vector<16xf32>
    %swap3A_427 = arith.constant 1 : i32
    %swap3A_428 = arith.index_cast %swap3A_427 : i32 to index
    %swap3A_429 = arith.constant 80 : index
    %swap3A_430 = tpu.vector_load %arg11[%swap3A_428, %swap3A_429] {strides = array<i32>} : memref<4x128xf32, #tpu.memory_space<vmem>>, vector<1x16xf32>,
    %swap3A_431 = vector.shape_cast %swap3A_430 : vector<1x16xf32> to vector<16xf32>
    %swap3A_432 = vector.shape_cast %sub3A_426 : vector<16xf32> to vector<1x16xf32>
    tpu.vector_store %arg11[%swap3A_428, %swap3A_429], %swap3A_432 {strides = array<i32>} : memref<4x128xf32, #tpu.memory_space<vmem>>, vector<1x16xf32>,
    %get3A_433 = arith.constant 1 : i32
    %get3A_434 = arith.index_cast %get3A_433 : i32 to index
    %get3A_435 = arith.constant 96 : index
    %get3A_436 = tpu.vector_load %arg11[%get3A_434, %get3A_435] {strides = array<i32>} : memref<4x128xf32, #tpu.memory_space<vmem>>, vector<1x16xf32>,
    %get3A_437 = vector.shape_cast %get3A_436 : vector<1x16xf32> to vector<16xf32>
    %get3A_438 = arith.constant 1 : i32
    %get3A_439 = arith.index_cast %get3A_438 : i32 to index
    %get3A_440 = arith.constant 96 : index
    %get3A_441 = tpu.vector_load %arg12[%get3A_439, %get3A_440] {strides = array<i32>} : memref<4x128xf32, #tpu.memory_space<vmem>>, vector<1x16xf32>,
    %get3A_442 = vector.shape_cast %get3A_441 : vector<1x16xf32> to vector<16xf32>
    %sub3A_443 = arith.subf %get3A_437, %get3A_442 : vector<16xf32>
    %swap3A_444 = arith.constant 1 : i32
    %swap3A_445 = arith.index_cast %swap3A_444 : i32 to index
    %swap3A_446 = arith.constant 96 : index
    %swap3A_447 = tpu.vector_load %arg11[%swap3A_445, %swap3A_446] {strides = array<i32>} : memref<4x128xf32, #tpu.memory_space<vmem>>, vector<1x16xf32>,
    %swap3A_448 = vector.shape_cast %swap3A_447 : vector<1x16xf32> to vector<16xf32>
    %swap3A_449 = vector.shape_cast %sub3A_443 : vector<16xf32> to vector<1x16xf32>
    tpu.vector_store %arg11[%swap3A_445, %swap3A_446], %swap3A_449 {strides = array<i32>} : memref<4x128xf32, #tpu.memory_space<vmem>>, vector<1x16xf32>,
    %get3A_450 = arith.constant 1 : i32
    %get3A_451 = arith.index_cast %get3A_450 : i32 to index
    %get3A_452 = arith.constant 112 : index
    %get3A_453 = tpu.vector_load %arg11[%get3A_451, %get3A_452] {strides = array<i32>} : memref<4x128xf32, #tpu.memory_space<vmem>>, vector<1x16xf32>,
    %get3A_454 = vector.shape_cast %get3A_453 : vector<1x16xf32> to vector<16xf32>
    %get3A_455 = arith.constant 1 : i32
    %get3A_456 = arith.index_cast %get3A_455 : i32 to index
    %get3A_457 = arith.constant 112 : index
    %get3A_458 = tpu.vector_load %arg12[%get3A_456, %get3A_457] {strides = array<i32>} : memref<4x128xf32, #tpu.memory_space<vmem>>, vector<1x16xf32>,
    %get3A_459 = vector.shape_cast %get3A_458 : vector<1x16xf32> to vector<16xf32>
    %sub3A_460 = arith.subf %get3A_454, %get3A_459 : vector<16xf32>
    %swap3A_461 = arith.constant 1 : i32
    %swap3A_462 = arith.index_cast %swap3A_461 : i32 to index
    %swap3A_463 = arith.constant 112 : index
    %swap3A_464 = tpu.vector_load %arg11[%swap3A_462, %swap3A_463] {strides = array<i32>} : memref<4x128xf32, #tpu.memory_space<vmem>>, vector<1x16xf32>,
    %swap3A_465 = vector.shape_cast %swap3A_464 : vector<1x16xf32> to vector<16xf32>
    %swap3A_466 = vector.shape_cast %sub3A_460 : vector<16xf32> to vector<1x16xf32>
    tpu.vector_store %arg11[%swap3A_462, %swap3A_463], %swap3A_466 {strides = array<i32>} : memref<4x128xf32, #tpu.memory_space<vmem>>, vector<1x16xf32>,
    %dma_start3A_467 = arith.constant 1 : i32
    %dma_start3A_468 = arith.constant 1 : i32
    %dma_start3A_469 = arith.constant 0 : i32
    %dma_start3A_470 = tpu.memref_slice %arg11[%dma_start3A_467, %dma_start3A_469] : memref<4x128xf32, #tpu.memory_space<vmem>> -> memref<1x128xf32, #tpu.memory_space<vmem>>
    %dma_start3A_471 = tpu.memref_squeeze %dma_start3A_470 : memref<1x128xf32, #tpu.memory_space<vmem>> -> memref<128xf32, #tpu.memory_space<vmem>>
    %dma_start3A_472 = arith.constant 0 : i32
    %dma_start3A_473 = arith.constant 0 : i32
    %dma_start3A_474 = tpu.memref_slice %arg8[%add3A, %dma_start3A_472, %dma_start3A_473] : memref<32x4x128xf32, #tpu.memory_space<hbm>> -> memref<1x4x128xf32, #tpu.memory_space<hbm>>
    %dma_start3A_475 = tpu.memref_squeeze %dma_start3A_474 : memref<1x4x128xf32, #tpu.memory_space<hbm>> -> memref<4x128xf32, #tpu.memory_space<hbm>>
    %dma_start3A_476 = arith.constant 0 : i32
    %dma_start3A_477 = tpu.memref_slice %dma_start3A_475[%dma_start3A_468, %dma_start3A_476] : memref<4x128xf32, #tpu.memory_space<hbm>> -> memref<1x128xf32, #tpu.memory_space<hbm>>
    %dma_start3A_478 = tpu.memref_squeeze %dma_start3A_477 : memref<1x128xf32, #tpu.memory_space<hbm>> -> memref<128xf32, #tpu.memory_space<hbm>>
    %dma_start3A_479 = arith.constant 0 : i32
    %dma_start3A_480 = arith.constant 0 : i32
    %dma_start3A_481 = tpu.memref_slice %arg8[%add3A, %dma_start3A_479, %dma_start3A_480] : memref<32x4x128xf32, #tpu.memory_space<hbm>> -> memref<1x4x128xf32, #tpu.memory_space<hbm>>
    %dma_start3A_482 = tpu.memref_squeeze %dma_start3A_481 : memref<1x4x128xf32, #tpu.memory_space<hbm>> -> memref<4x128xf32, #tpu.memory_space<hbm>>
    %dma_start3A_483 = arith.constant 0 : i32
    %dma_start3A_484 = tpu.memref_slice %dma_start3A_482[%dma_start3A_468, %dma_start3A_483] : memref<4x128xf32, #tpu.memory_space<hbm>> -> memref<1x128xf32, #tpu.memory_space<hbm>>
    %dma_start3A_485 = tpu.memref_squeeze %dma_start3A_484 : memref<1x128xf32, #tpu.memory_space<hbm>> -> memref<128xf32, #tpu.memory_space<hbm>>
    %dma_start3A_486 = arith.constant 0 : i32
    %dma_start3A_487 = tpu.memref_slice %arg11[%dma_start3A_467, %dma_start3A_486] : memref<4x128xf32, #tpu.memory_space<vmem>> -> memref<1x128xf32, #tpu.memory_space<vmem>>
    %dma_start3A_488 = tpu.memref_squeeze %dma_start3A_487 : memref<1x128xf32, #tpu.memory_space<vmem>> -> memref<128xf32, #tpu.memory_space<vmem>>
    tpu.enqueue_dma source(%dma_start3A_488 : memref<128xf32, #tpu.memory_space<vmem>>) target(%dma_start3A_485 : memref<128xf32, #tpu.memory_space<hbm>>) target_semaphore(%arg15 : memref<!tpu.dma_semaphore, #tpu.memory_space<semaphore_mem>>)
    %dma_wait3A_489 = arith.constant 2 : i32
    %dma_wait3A_490 = arith.constant 2 : i32
    %dma_wait3A_491 = arith.constant 0 : i32
    %dma_wait3A_492 = tpu.memref_slice %arg11[%dma_wait3A_490, %dma_wait3A_491] : memref<4x128xf32, #tpu.memory_space<vmem>> -> memref<1x128xf32, #tpu.memory_space<vmem>>
    %dma_wait3A_493 = tpu.memref_squeeze %dma_wait3A_492 : memref<1x128xf32, #tpu.memory_space<vmem>> -> memref<128xf32, #tpu.memory_space<vmem>>
    %dma_wait3A_494 = arith.constant 0 : i32
    %dma_wait3A_495 = tpu.memref_slice %arg9[%dma_wait3A_489, %dma_wait3A_494] : memref<4x128xi32, #tpu.memory_space<vmem>> -> memref<1x128xi32, #tpu.memory_space<vmem>>
    %dma_wait3A_496 = tpu.memref_squeeze %dma_wait3A_495 : memref<1x128xi32, #tpu.memory_space<vmem>> -> memref<128xi32, #tpu.memory_space<vmem>>
    %dma_wait3A_497 = arith.constant 0 : i32
    %dma_wait3A_498 = tpu.memref_slice %arg13[%dma_wait3A_497] : memref<100352xf32, #tpu.memory_space<vmem_shared>> -> memref<100352xf32, #tpu.memory_space<vmem_shared>>
    tpu.wait_indirect_dma semaphore(%arg15 : memref<!tpu.dma_semaphore, #tpu.memory_space<semaphore_mem>>) src(%dma_wait3A_498 : memref<100352xf32, #tpu.memory_space<vmem_shared>>) dst(%dma_wait3A_493 : memref<128xf32, #tpu.memory_space<vmem>>)
    %dma_wait3A_499 = arith.constant 2 : i32
    %dma_wait3A_500 = arith.constant 2 : i32
    %dma_wait3A_501 = arith.constant 0 : i32
    %dma_wait3A_502 = tpu.memref_slice %arg12[%dma_wait3A_500, %dma_wait3A_501] : memref<4x128xf32, #tpu.memory_space<vmem>> -> memref<1x128xf32, #tpu.memory_space<vmem>>
    %dma_wait3A_503 = tpu.memref_squeeze %dma_wait3A_502 : memref<1x128xf32, #tpu.memory_space<vmem>> -> memref<128xf32, #tpu.memory_space<vmem>>
    %dma_wait3A_504 = arith.constant 0 : i32
    %dma_wait3A_505 = tpu.memref_slice %arg10[%dma_wait3A_499, %dma_wait3A_504] : memref<4x128xi32, #tpu.memory_space<vmem>> -> memref<1x128xi32, #tpu.memory_space<vmem>>
    %dma_wait3A_506 = tpu.memref_squeeze %dma_wait3A_505 : memref<1x128xi32, #tpu.memory_space<vmem>> -> memref<128xi32, #tpu.memory_space<vmem>>
    %dma_wait3A_507 = arith.constant 0 : i32
    %dma_wait3A_508 = tpu.memref_slice %arg14[%dma_wait3A_507] : memref<100352xf32, #tpu.memory_space<vmem_shared>> -> memref<100352xf32, #tpu.memory_space<vmem_shared>>
    tpu.wait_indirect_dma semaphore(%arg15 : memref<!tpu.dma_semaphore, #tpu.memory_space<semaphore_mem>>) src(%dma_wait3A_508 : memref<100352xf32, #tpu.memory_space<vmem_shared>>) dst(%dma_wait3A_503 : memref<128xf32, #tpu.memory_space<vmem>>)
    %get3A_509 = arith.constant 2 : i32
    %get3A_510 = arith.index_cast %get3A_509 : i32 to index
    %get3A_511 = arith.constant 0 : index
    %get3A_512 = tpu.vector_load %arg11[%get3A_510, %get3A_511] {strides = array<i32>} : memref<4x128xf32, #tpu.memory_space<vmem>>, vector<1x16xf32>,
    %get3A_513 = vector.shape_cast %get3A_512 : vector<1x16xf32> to vector<16xf32>
    %get3A_514 = arith.constant 2 : i32
    %get3A_515 = arith.index_cast %get3A_514 : i32 to index
    %get3A_516 = arith.constant 0 : index
    %get3A_517 = tpu.vector_load %arg12[%get3A_515, %get3A_516] {strides = array<i32>} : memref<4x128xf32, #tpu.memory_space<vmem>>, vector<1x16xf32>,
    %get3A_518 = vector.shape_cast %get3A_517 : vector<1x16xf32> to vector<16xf32>
    %sub3A_519 = arith.subf %get3A_513, %get3A_518 : vector<16xf32>
    %swap3A_520 = arith.constant 2 : i32
    %swap3A_521 = arith.index_cast %swap3A_520 : i32 to index
    %swap3A_522 = arith.constant 0 : index
    %swap3A_523 = tpu.vector_load %arg11[%swap3A_521, %swap3A_522] {strides = array<i32>} : memref<4x128xf32, #tpu.memory_space<vmem>>, vector<1x16xf32>,
    %swap3A_524 = vector.shape_cast %swap3A_523 : vector<1x16xf32> to vector<16xf32>
    %swap3A_525 = vector.shape_cast %sub3A_519 : vector<16xf32> to vector<1x16xf32>
    tpu.vector_store %arg11[%swap3A_521, %swap3A_522], %swap3A_525 {strides = array<i32>} : memref<4x128xf32, #tpu.memory_space<vmem>>, vector<1x16xf32>,
    %get3A_526 = arith.constant 2 : i32
    %get3A_527 = arith.index_cast %get3A_526 : i32 to index
    %get3A_528 = arith.constant 16 : index
    %get3A_529 = tpu.vector_load %arg11[%get3A_527, %get3A_528] {strides = array<i32>} : memref<4x128xf32, #tpu.memory_space<vmem>>, vector<1x16xf32>,
    %get3A_530 = vector.shape_cast %get3A_529 : vector<1x16xf32> to vector<16xf32>
    %get3A_531 = arith.constant 2 : i32
    %get3A_532 = arith.index_cast %get3A_531 : i32 to index
    %get3A_533 = arith.constant 16 : index
    %get3A_534 = tpu.vector_load %arg12[%get3A_532, %get3A_533] {strides = array<i32>} : memref<4x128xf32, #tpu.memory_space<vmem>>, vector<1x16xf32>,
    %get3A_535 = vector.shape_cast %get3A_534 : vector<1x16xf32> to vector<16xf32>
    %sub3A_536 = arith.subf %get3A_530, %get3A_535 : vector<16xf32>
    %swap3A_537 = arith.constant 2 : i32
    %swap3A_538 = arith.index_cast %swap3A_537 : i32 to index
    %swap3A_539 = arith.constant 16 : index
    %swap3A_540 = tpu.vector_load %arg11[%swap3A_538, %swap3A_539] {strides = array<i32>} : memref<4x128xf32, #tpu.memory_space<vmem>>, vector<1x16xf32>,
    %swap3A_541 = vector.shape_cast %swap3A_540 : vector<1x16xf32> to vector<16xf32>
    %swap3A_542 = vector.shape_cast %sub3A_536 : vector<16xf32> to vector<1x16xf32>
    tpu.vector_store %arg11[%swap3A_538, %swap3A_539], %swap3A_542 {strides = array<i32>} : memref<4x128xf32, #tpu.memory_space<vmem>>, vector<1x16xf32>,
    %get3A_543 = arith.constant 2 : i32
    %get3A_544 = arith.index_cast %get3A_543 : i32 to index
    %get3A_545 = arith.constant 32 : index
    %get3A_546 = tpu.vector_load %arg11[%get3A_544, %get3A_545] {strides = array<i32>} : memref<4x128xf32, #tpu.memory_space<vmem>>, vector<1x16xf32>,
    %get3A_547 = vector.shape_cast %get3A_546 : vector<1x16xf32> to vector<16xf32>
    %get3A_548 = arith.constant 2 : i32
    %get3A_549 = arith.index_cast %get3A_548 : i32 to index
    %get3A_550 = arith.constant 32 : index
    %get3A_551 = tpu.vector_load %arg12[%get3A_549, %get3A_550] {strides = array<i32>} : memref<4x128xf32, #tpu.memory_space<vmem>>, vector<1x16xf32>,
    %get3A_552 = vector.shape_cast %get3A_551 : vector<1x16xf32> to vector<16xf32>
    %sub3A_553 = arith.subf %get3A_547, %get3A_552 : vector<16xf32>
    %swap3A_554 = arith.constant 2 : i32
    %swap3A_555 = arith.index_cast %swap3A_554 : i32 to index
    %swap3A_556 = arith.constant 32 : index
    %swap3A_557 = tpu.vector_load %arg11[%swap3A_555, %swap3A_556] {strides = array<i32>} : memref<4x128xf32, #tpu.memory_space<vmem>>, vector<1x16xf32>,
    %swap3A_558 = vector.shape_cast %swap3A_557 : vector<1x16xf32> to vector<16xf32>
    %swap3A_559 = vector.shape_cast %sub3A_553 : vector<16xf32> to vector<1x16xf32>
    tpu.vector_store %arg11[%swap3A_555, %swap3A_556], %swap3A_559 {strides = array<i32>} : memref<4x128xf32, #tpu.memory_space<vmem>>, vector<1x16xf32>,
    %get3A_560 = arith.constant 2 : i32
    %get3A_561 = arith.index_cast %get3A_560 : i32 to index
    %get3A_562 = arith.constant 48 : index
    %get3A_563 = tpu.vector_load %arg11[%get3A_561, %get3A_562] {strides = array<i32>} : memref<4x128xf32, #tpu.memory_space<vmem>>, vector<1x16xf32>,
    %get3A_564 = vector.shape_cast %get3A_563 : vector<1x16xf32> to vector<16xf32>
    %get3A_565 = arith.constant 2 : i32
    %get3A_566 = arith.index_cast %get3A_565 : i32 to index
    %get3A_567 = arith.constant 48 : index
    %get3A_568 = tpu.vector_load %arg12[%get3A_566, %get3A_567] {strides = array<i32>} : memref<4x128xf32, #tpu.memory_space<vmem>>, vector<1x16xf32>,
    %get3A_569 = vector.shape_cast %get3A_568 : vector<1x16xf32> to vector<16xf32>
    %sub3A_570 = arith.subf %get3A_564, %get3A_569 : vector<16xf32>
    %swap3A_571 = arith.constant 2 : i32
    %swap3A_572 = arith.index_cast %swap3A_571 : i32 to index
    %swap3A_573 = arith.constant 48 : index
    %swap3A_574 = tpu.vector_load %arg11[%swap3A_572, %swap3A_573] {strides = array<i32>} : memref<4x128xf32, #tpu.memory_space<vmem>>, vector<1x16xf32>,
    %swap3A_575 = vector.shape_cast %swap3A_574 : vector<1x16xf32> to vector<16xf32>
    %swap3A_576 = vector.shape_cast %sub3A_570 : vector<16xf32> to vector<1x16xf32>
    tpu.vector_store %arg11[%swap3A_572, %swap3A_573], %swap3A_576 {strides = array<i32>} : memref<4x128xf32, #tpu.memory_space<vmem>>, vector<1x16xf32>,
    %get3A_577 = arith.constant 2 : i32
    %get3A_578 = arith.index_cast %get3A_577 : i32 to index
    %get3A_579 = arith.constant 64 : index
    %get3A_580 = tpu.vector_load %arg11[%get3A_578, %get3A_579] {strides = array<i32>} : memref<4x128xf32, #tpu.memory_space<vmem>>, vector<1x16xf32>,
    %get3A_581 = vector.shape_cast %get3A_580 : vector<1x16xf32> to vector<16xf32>
    %get3A_582 = arith.constant 2 : i32
    %get3A_583 = arith.index_cast %get3A_582 : i32 to index
    %get3A_584 = arith.constant 64 : index
    %get3A_585 = tpu.vector_load %arg12[%get3A_583, %get3A_584] {strides = array<i32>} : memref<4x128xf32, #tpu.memory_space<vmem>>, vector<1x16xf32>,
    %get3A_586 = vector.shape_cast %get3A_585 : vector<1x16xf32> to vector<16xf32>
    %sub3A_587 = arith.subf %get3A_581, %get3A_586 : vector<16xf32>
    %swap3A_588 = arith.constant 2 : i32
    %swap3A_589 = arith.index_cast %swap3A_588 : i32 to index
    %swap3A_590 = arith.constant 64 : index
    %swap3A_591 = tpu.vector_load %arg11[%swap3A_589, %swap3A_590] {strides = array<i32>} : memref<4x128xf32, #tpu.memory_space<vmem>>, vector<1x16xf32>,
    %swap3A_592 = vector.shape_cast %swap3A_591 : vector<1x16xf32> to vector<16xf32>
    %swap3A_593 = vector.shape_cast %sub3A_587 : vector<16xf32> to vector<1x16xf32>
    tpu.vector_store %arg11[%swap3A_589, %swap3A_590], %swap3A_593 {strides = array<i32>} : memref<4x128xf32, #tpu.memory_space<vmem>>, vector<1x16xf32>,
    %get3A_594 = arith.constant 2 : i32
    %get3A_595 = arith.index_cast %get3A_594 : i32 to index
    %get3A_596 = arith.constant 80 : index
    %get3A_597 = tpu.vector_load %arg11[%get3A_595, %get3A_596] {strides = array<i32>} : memref<4x128xf32, #tpu.memory_space<vmem>>, vector<1x16xf32>,
    %get3A_598 = vector.shape_cast %get3A_597 : vector<1x16xf32> to vector<16xf32>
    %get3A_599 = arith.constant 2 : i32
    %get3A_600 = arith.index_cast %get3A_599 : i32 to index
    %get3A_601 = arith.constant 80 : index
    %get3A_602 = tpu.vector_load %arg12[%get3A_600, %get3A_601] {strides = array<i32>} : memref<4x128xf32, #tpu.memory_space<vmem>>, vector<1x16xf32>,
    %get3A_603 = vector.shape_cast %get3A_602 : vector<1x16xf32> to vector<16xf32>
    %sub3A_604 = arith.subf %get3A_598, %get3A_603 : vector<16xf32>
    %swap3A_605 = arith.constant 2 : i32
    %swap3A_606 = arith.index_cast %swap3A_605 : i32 to index
    %swap3A_607 = arith.constant 80 : index
    %swap3A_608 = tpu.vector_load %arg11[%swap3A_606, %swap3A_607] {strides = array<i32>} : memref<4x128xf32, #tpu.memory_space<vmem>>, vector<1x16xf32>,
    %swap3A_609 = vector.shape_cast %swap3A_608 : vector<1x16xf32> to vector<16xf32>
    %swap3A_610 = vector.shape_cast %sub3A_604 : vector<16xf32> to vector<1x16xf32>
    tpu.vector_store %arg11[%swap3A_606, %swap3A_607], %swap3A_610 {strides = array<i32>} : memref<4x128xf32, #tpu.memory_space<vmem>>, vector<1x16xf32>,
    %get3A_611 = arith.constant 2 : i32
    %get3A_612 = arith.index_cast %get3A_611 : i32 to index
    %get3A_613 = arith.constant 96 : index
    %get3A_614 = tpu.vector_load %arg11[%get3A_612, %get3A_613] {strides = array<i32>} : memref<4x128xf32, #tpu.memory_space<vmem>>, vector<1x16xf32>,
    %get3A_615 = vector.shape_cast %get3A_614 : vector<1x16xf32> to vector<16xf32>
    %get3A_616 = arith.constant 2 : i32
    %get3A_617 = arith.index_cast %get3A_616 : i32 to index
    %get3A_618 = arith.constant 96 : index
    %get3A_619 = tpu.vector_load %arg12[%get3A_617, %get3A_618] {strides = array<i32>} : memref<4x128xf32, #tpu.memory_space<vmem>>, vector<1x16xf32>,
    %get3A_620 = vector.shape_cast %get3A_619 : vector<1x16xf32> to vector<16xf32>
    %sub3A_621 = arith.subf %get3A_615, %get3A_620 : vector<16xf32>
    %swap3A_622 = arith.constant 2 : i32
    %swap3A_623 = arith.index_cast %swap3A_622 : i32 to index
    %swap3A_624 = arith.constant 96 : index
    %swap3A_625 = tpu.vector_load %arg11[%swap3A_623, %swap3A_624] {strides = array<i32>} : memref<4x128xf32, #tpu.memory_space<vmem>>, vector<1x16xf32>,
    %swap3A_626 = vector.shape_cast %swap3A_625 : vector<1x16xf32> to vector<16xf32>
    %swap3A_627 = vector.shape_cast %sub3A_621 : vector<16xf32> to vector<1x16xf32>
    tpu.vector_store %arg11[%swap3A_623, %swap3A_624], %swap3A_627 {strides = array<i32>} : memref<4x128xf32, #tpu.memory_space<vmem>>, vector<1x16xf32>,
    %get3A_628 = arith.constant 2 : i32
    %get3A_629 = arith.index_cast %get3A_628 : i32 to index
    %get3A_630 = arith.constant 112 : index
    %get3A_631 = tpu.vector_load %arg11[%get3A_629, %get3A_630] {strides = array<i32>} : memref<4x128xf32, #tpu.memory_space<vmem>>, vector<1x16xf32>,
    %get3A_632 = vector.shape_cast %get3A_631 : vector<1x16xf32> to vector<16xf32>
    %get3A_633 = arith.constant 2 : i32
    %get3A_634 = arith.index_cast %get3A_633 : i32 to index
    %get3A_635 = arith.constant 112 : index
    %get3A_636 = tpu.vector_load %arg12[%get3A_634, %get3A_635] {strides = array<i32>} : memref<4x128xf32, #tpu.memory_space<vmem>>, vector<1x16xf32>,
    %get3A_637 = vector.shape_cast %get3A_636 : vector<1x16xf32> to vector<16xf32>
    %sub3A_638 = arith.subf %get3A_632, %get3A_637 : vector<16xf32>
    %swap3A_639 = arith.constant 2 : i32
    %swap3A_640 = arith.index_cast %swap3A_639 : i32 to index
    %swap3A_641 = arith.constant 112 : index
    %swap3A_642 = tpu.vector_load %arg11[%swap3A_640, %swap3A_641] {strides = array<i32>} : memref<4x128xf32, #tpu.memory_space<vmem>>, vector<1x16xf32>,
    %swap3A_643 = vector.shape_cast %swap3A_642 : vector<1x16xf32> to vector<16xf32>
    %swap3A_644 = vector.shape_cast %sub3A_638 : vector<16xf32> to vector<1x16xf32>
    tpu.vector_store %arg11[%swap3A_640, %swap3A_641], %swap3A_644 {strides = array<i32>} : memref<4x128xf32, #tpu.memory_space<vmem>>, vector<1x16xf32>,
    %dma_start3A_645 = arith.constant 2 : i32
    %dma_start3A_646 = arith.constant 2 : i32
    %dma_start3A_647 = arith.constant 0 : i32
    %dma_start3A_648 = tpu.memref_slice %arg11[%dma_start3A_645, %dma_start3A_647] : memref<4x128xf32, #tpu.memory_space<vmem>> -> memref<1x128xf32, #tpu.memory_space<vmem>>
    %dma_start3A_649 = tpu.memref_squeeze %dma_start3A_648 : memref<1x128xf32, #tpu.memory_space<vmem>> -> memref<128xf32, #tpu.memory_space<vmem>>
    %dma_start3A_650 = arith.constant 0 : i32
    %dma_start3A_651 = arith.constant 0 : i32
    %dma_start3A_652 = tpu.memref_slice %arg8[%add3A, %dma_start3A_650, %dma_start3A_651] : memref<32x4x128xf32, #tpu.memory_space<hbm>> -> memref<1x4x128xf32, #tpu.memory_space<hbm>>
    %dma_start3A_653 = tpu.memref_squeeze %dma_start3A_652 : memref<1x4x128xf32, #tpu.memory_space<hbm>> -> memref<4x128xf32, #tpu.memory_space<hbm>>
    %dma_start3A_654 = arith.constant 0 : i32
    %dma_start3A_655 = tpu.memref_slice %dma_start3A_653[%dma_start3A_646, %dma_start3A_654] : memref<4x128xf32, #tpu.memory_space<hbm>> -> memref<1x128xf32, #tpu.memory_space<hbm>>
    %dma_start3A_656 = tpu.memref_squeeze %dma_start3A_655 : memref<1x128xf32, #tpu.memory_space<hbm>> -> memref<128xf32, #tpu.memory_space<hbm>>
    %dma_start3A_657 = arith.constant 0 : i32
    %dma_start3A_658 = arith.constant 0 : i32
    %dma_start3A_659 = tpu.memref_slice %arg8[%add3A, %dma_start3A_657, %dma_start3A_658] : memref<32x4x128xf32, #tpu.memory_space<hbm>> -> memref<1x4x128xf32, #tpu.memory_space<hbm>>
    %dma_start3A_660 = tpu.memref_squeeze %dma_start3A_659 : memref<1x4x128xf32, #tpu.memory_space<hbm>> -> memref<4x128xf32, #tpu.memory_space<hbm>>
    %dma_start3A_661 = arith.constant 0 : i32
    %dma_start3A_662 = tpu.memref_slice %dma_start3A_660[%dma_start3A_646, %dma_start3A_661] : memref<4x128xf32, #tpu.memory_space<hbm>> -> memref<1x128xf32, #tpu.memory_space<hbm>>
    %dma_start3A_663 = tpu.memref_squeeze %dma_start3A_662 : memref<1x128xf32, #tpu.memory_space<hbm>> -> memref<128xf32, #tpu.memory_space<hbm>>
    %dma_start3A_664 = arith.constant 0 : i32
    %dma_start3A_665 = tpu.memref_slice %arg11[%dma_start3A_645, %dma_start3A_664] : memref<4x128xf32, #tpu.memory_space<vmem>> -> memref<1x128xf32, #tpu.memory_space<vmem>>
    %dma_start3A_666 = tpu.memref_squeeze %dma_start3A_665 : memref<1x128xf32, #tpu.memory_space<vmem>> -> memref<128xf32, #tpu.memory_space<vmem>>
    tpu.enqueue_dma source(%dma_start3A_666 : memref<128xf32, #tpu.memory_space<vmem>>) target(%dma_start3A_663 : memref<128xf32, #tpu.memory_space<hbm>>) target_semaphore(%arg15 : memref<!tpu.dma_semaphore, #tpu.memory_space<semaphore_mem>>)
    %dma_wait3A_667 = arith.constant 3 : i32
    %dma_wait3A_668 = arith.constant 3 : i32
    %dma_wait3A_669 = arith.constant 0 : i32
    %dma_wait3A_670 = tpu.memref_slice %arg11[%dma_wait3A_668, %dma_wait3A_669] : memref<4x128xf32, #tpu.memory_space<vmem>> -> memref<1x128xf32, #tpu.memory_space<vmem>>
    %dma_wait3A_671 = tpu.memref_squeeze %dma_wait3A_670 : memref<1x128xf32, #tpu.memory_space<vmem>> -> memref<128xf32, #tpu.memory_space<vmem>>
    %dma_wait3A_672 = arith.constant 0 : i32
    %dma_wait3A_673 = tpu.memref_slice %arg9[%dma_wait3A_667, %dma_wait3A_672] : memref<4x128xi32, #tpu.memory_space<vmem>> -> memref<1x128xi32, #tpu.memory_space<vmem>>
    %dma_wait3A_674 = tpu.memref_squeeze %dma_wait3A_673 : memref<1x128xi32, #tpu.memory_space<vmem>> -> memref<128xi32, #tpu.memory_space<vmem>>
    %dma_wait3A_675 = arith.constant 0 : i32
    %dma_wait3A_676 = tpu.memref_slice %arg13[%dma_wait3A_675] : memref<100352xf32, #tpu.memory_space<vmem_shared>> -> memref<100352xf32, #tpu.memory_space<vmem_shared>>
    tpu.wait_indirect_dma semaphore(%arg15 : memref<!tpu.dma_semaphore, #tpu.memory_space<semaphore_mem>>) src(%dma_wait3A_676 : memref<100352xf32, #tpu.memory_space<vmem_shared>>) dst(%dma_wait3A_671 : memref<128xf32, #tpu.memory_space<vmem>>)
    %dma_wait3A_677 = arith.constant 3 : i32
    %dma_wait3A_678 = arith.constant 3 : i32
    %dma_wait3A_679 = arith.constant 0 : i32
    %dma_wait3A_680 = tpu.memref_slice %arg12[%dma_wait3A_678, %dma_wait3A_679] : memref<4x128xf32, #tpu.memory_space<vmem>> -> memref<1x128xf32, #tpu.memory_space<vmem>>
    %dma_wait3A_681 = tpu.memref_squeeze %dma_wait3A_680 : memref<1x128xf32, #tpu.memory_space<vmem>> -> memref<128xf32, #tpu.memory_space<vmem>>
    %dma_wait3A_682 = arith.constant 0 : i32
    %dma_wait3A_683 = tpu.memref_slice %arg10[%dma_wait3A_677, %dma_wait3A_682] : memref<4x128xi32, #tpu.memory_space<vmem>> -> memref<1x128xi32, #tpu.memory_space<vmem>>
    %dma_wait3A_684 = tpu.memref_squeeze %dma_wait3A_683 : memref<1x128xi32, #tpu.memory_space<vmem>> -> memref<128xi32, #tpu.memory_space<vmem>>
    %dma_wait3A_685 = arith.constant 0 : i32
    %dma_wait3A_686 = tpu.memref_slice %arg14[%dma_wait3A_685] : memref<100352xf32, #tpu.memory_space<vmem_shared>> -> memref<100352xf32, #tpu.memory_space<vmem_shared>>
    tpu.wait_indirect_dma semaphore(%arg15 : memref<!tpu.dma_semaphore, #tpu.memory_space<semaphore_mem>>) src(%dma_wait3A_686 : memref<100352xf32, #tpu.memory_space<vmem_shared>>) dst(%dma_wait3A_681 : memref<128xf32, #tpu.memory_space<vmem>>)
    %get3A_687 = arith.constant 3 : i32
    %get3A_688 = arith.index_cast %get3A_687 : i32 to index
    %get3A_689 = arith.constant 0 : index
    %get3A_690 = tpu.vector_load %arg11[%get3A_688, %get3A_689] {strides = array<i32>} : memref<4x128xf32, #tpu.memory_space<vmem>>, vector<1x16xf32>,
    %get3A_691 = vector.shape_cast %get3A_690 : vector<1x16xf32> to vector<16xf32>
    %get3A_692 = arith.constant 3 : i32
    %get3A_693 = arith.index_cast %get3A_692 : i32 to index
    %get3A_694 = arith.constant 0 : index
    %get3A_695 = tpu.vector_load %arg12[%get3A_693, %get3A_694] {strides = array<i32>} : memref<4x128xf32, #tpu.memory_space<vmem>>, vector<1x16xf32>,
    %get3A_696 = vector.shape_cast %get3A_695 : vector<1x16xf32> to vector<16xf32>
    %sub3A_697 = arith.subf %get3A_691, %get3A_696 : vector<16xf32>
    %swap3A_698 = arith.constant 3 : i32
    %swap3A_699 = arith.index_cast %swap3A_698 : i32 to index
    %swap3A_700 = arith.constant 0 : index
    %swap3A_701 = tpu.vector_load %arg11[%swap3A_699, %swap3A_700] {strides = array<i32>} : memref<4x128xf32, #tpu.memory_space<vmem>>, vector<1x16xf32>,
    %swap3A_702 = vector.shape_cast %swap3A_701 : vector<1x16xf32> to vector<16xf32>
    %swap3A_703 = vector.shape_cast %sub3A_697 : vector<16xf32> to vector<1x16xf32>
    tpu.vector_store %arg11[%swap3A_699, %swap3A_700], %swap3A_703 {strides = array<i32>} : memref<4x128xf32, #tpu.memory_space<vmem>>, vector<1x16xf32>,
    %get3A_704 = arith.constant 3 : i32
    %get3A_705 = arith.index_cast %get3A_704 : i32 to index
    %get3A_706 = arith.constant 16 : index
    %get3A_707 = tpu.vector_load %arg11[%get3A_705, %get3A_706] {strides = array<i32>} : memref<4x128xf32, #tpu.memory_space<vmem>>, vector<1x16xf32>,
    %get3A_708 = vector.shape_cast %get3A_707 : vector<1x16xf32> to vector<16xf32>
    %get3A_709 = arith.constant 3 : i32
    %get3A_710 = arith.index_cast %get3A_709 : i32 to index
    %get3A_711 = arith.constant 16 : index
    %get3A_712 = tpu.vector_load %arg12[%get3A_710, %get3A_711] {strides = array<i32>} : memref<4x128xf32, #tpu.memory_space<vmem>>, vector<1x16xf32>,
    %get3A_713 = vector.shape_cast %get3A_712 : vector<1x16xf32> to vector<16xf32>
    %sub3A_714 = arith.subf %get3A_708, %get3A_713 : vector<16xf32>
    %swap3A_715 = arith.constant 3 : i32
    %swap3A_716 = arith.index_cast %swap3A_715 : i32 to index
    %swap3A_717 = arith.constant 16 : index
    %swap3A_718 = tpu.vector_load %arg11[%swap3A_716, %swap3A_717] {strides = array<i32>} : memref<4x128xf32, #tpu.memory_space<vmem>>, vector<1x16xf32>,
    %swap3A_719 = vector.shape_cast %swap3A_718 : vector<1x16xf32> to vector<16xf32>
    %swap3A_720 = vector.shape_cast %sub3A_714 : vector<16xf32> to vector<1x16xf32>
    tpu.vector_store %arg11[%swap3A_716, %swap3A_717], %swap3A_720 {strides = array<i32>} : memref<4x128xf32, #tpu.memory_space<vmem>>, vector<1x16xf32>,
    %get3A_721 = arith.constant 3 : i32
    %get3A_722 = arith.index_cast %get3A_721 : i32 to index
    %get3A_723 = arith.constant 32 : index
    %get3A_724 = tpu.vector_load %arg11[%get3A_722, %get3A_723] {strides = array<i32>} : memref<4x128xf32, #tpu.memory_space<vmem>>, vector<1x16xf32>,
    %get3A_725 = vector.shape_cast %get3A_724 : vector<1x16xf32> to vector<16xf32>
    %get3A_726 = arith.constant 3 : i32
    %get3A_727 = arith.index_cast %get3A_726 : i32 to index
    %get3A_728 = arith.constant 32 : index
    %get3A_729 = tpu.vector_load %arg12[%get3A_727, %get3A_728] {strides = array<i32>} : memref<4x128xf32, #tpu.memory_space<vmem>>, vector<1x16xf32>,
    %get3A_730 = vector.shape_cast %get3A_729 : vector<1x16xf32> to vector<16xf32>
    %sub3A_731 = arith.subf %get3A_725, %get3A_730 : vector<16xf32>
    %swap3A_732 = arith.constant 3 : i32
    %swap3A_733 = arith.index_cast %swap3A_732 : i32 to index
    %swap3A_734 = arith.constant 32 : index
    %swap3A_735 = tpu.vector_load %arg11[%swap3A_733, %swap3A_734] {strides = array<i32>} : memref<4x128xf32, #tpu.memory_space<vmem>>, vector<1x16xf32>,
    %swap3A_736 = vector.shape_cast %swap3A_735 : vector<1x16xf32> to vector<16xf32>
    %swap3A_737 = vector.shape_cast %sub3A_731 : vector<16xf32> to vector<1x16xf32>
    tpu.vector_store %arg11[%swap3A_733, %swap3A_734], %swap3A_737 {strides = array<i32>} : memref<4x128xf32, #tpu.memory_space<vmem>>, vector<1x16xf32>,
    %get3A_738 = arith.constant 3 : i32
    %get3A_739 = arith.index_cast %get3A_738 : i32 to index
    %get3A_740 = arith.constant 48 : index
    %get3A_741 = tpu.vector_load %arg11[%get3A_739, %get3A_740] {strides = array<i32>} : memref<4x128xf32, #tpu.memory_space<vmem>>, vector<1x16xf32>,
    %get3A_742 = vector.shape_cast %get3A_741 : vector<1x16xf32> to vector<16xf32>
    %get3A_743 = arith.constant 3 : i32
    %get3A_744 = arith.index_cast %get3A_743 : i32 to index
    %get3A_745 = arith.constant 48 : index
    %get3A_746 = tpu.vector_load %arg12[%get3A_744, %get3A_745] {strides = array<i32>} : memref<4x128xf32, #tpu.memory_space<vmem>>, vector<1x16xf32>,
    %get3A_747 = vector.shape_cast %get3A_746 : vector<1x16xf32> to vector<16xf32>
    %sub3A_748 = arith.subf %get3A_742, %get3A_747 : vector<16xf32>
    %swap3A_749 = arith.constant 3 : i32
    %swap3A_750 = arith.index_cast %swap3A_749 : i32 to index
    %swap3A_751 = arith.constant 48 : index
    %swap3A_752 = tpu.vector_load %arg11[%swap3A_750, %swap3A_751] {strides = array<i32>} : memref<4x128xf32, #tpu.memory_space<vmem>>, vector<1x16xf32>,
    %swap3A_753 = vector.shape_cast %swap3A_752 : vector<1x16xf32> to vector<16xf32>
    %swap3A_754 = vector.shape_cast %sub3A_748 : vector<16xf32> to vector<1x16xf32>
    tpu.vector_store %arg11[%swap3A_750, %swap3A_751], %swap3A_754 {strides = array<i32>} : memref<4x128xf32, #tpu.memory_space<vmem>>, vector<1x16xf32>,
    %get3A_755 = arith.constant 3 : i32
    %get3A_756 = arith.index_cast %get3A_755 : i32 to index
    %get3A_757 = arith.constant 64 : index
    %get3A_758 = tpu.vector_load %arg11[%get3A_756, %get3A_757] {strides = array<i32>} : memref<4x128xf32, #tpu.memory_space<vmem>>, vector<1x16xf32>,
    %get3A_759 = vector.shape_cast %get3A_758 : vector<1x16xf32> to vector<16xf32>
    %get3A_760 = arith.constant 3 : i32
    %get3A_761 = arith.index_cast %get3A_760 : i32 to index
    %get3A_762 = arith.constant 64 : index
    %get3A_763 = tpu.vector_load %arg12[%get3A_761, %get3A_762] {strides = array<i32>} : memref<4x128xf32, #tpu.memory_space<vmem>>, vector<1x16xf32>,
    %get3A_764 = vector.shape_cast %get3A_763 : vector<1x16xf32> to vector<16xf32>
    %sub3A_765 = arith.subf %get3A_759, %get3A_764 : vector<16xf32>
    %swap3A_766 = arith.constant 3 : i32
    %swap3A_767 = arith.index_cast %swap3A_766 : i32 to index
    %swap3A_768 = arith.constant 64 : index
    %swap3A_769 = tpu.vector_load %arg11[%swap3A_767, %swap3A_768] {strides = array<i32>} : memref<4x128xf32, #tpu.memory_space<vmem>>, vector<1x16xf32>,
    %swap3A_770 = vector.shape_cast %swap3A_769 : vector<1x16xf32> to vector<16xf32>
    %swap3A_771 = vector.shape_cast %sub3A_765 : vector<16xf32> to vector<1x16xf32>
    tpu.vector_store %arg11[%swap3A_767, %swap3A_768], %swap3A_771 {strides = array<i32>} : memref<4x128xf32, #tpu.memory_space<vmem>>, vector<1x16xf32>,
    %get3A_772 = arith.constant 3 : i32
    %get3A_773 = arith.index_cast %get3A_772 : i32 to index
    %get3A_774 = arith.constant 80 : index
    %get3A_775 = tpu.vector_load %arg11[%get3A_773, %get3A_774] {strides = array<i32>} : memref<4x128xf32, #tpu.memory_space<vmem>>, vector<1x16xf32>,
    %get3A_776 = vector.shape_cast %get3A_775 : vector<1x16xf32> to vector<16xf32>
    %get3A_777 = arith.constant 3 : i32
    %get3A_778 = arith.index_cast %get3A_777 : i32 to index
    %get3A_779 = arith.constant 80 : index
    %get3A_780 = tpu.vector_load %arg12[%get3A_778, %get3A_779] {strides = array<i32>} : memref<4x128xf32, #tpu.memory_space<vmem>>, vector<1x16xf32>,
    %get3A_781 = vector.shape_cast %get3A_780 : vector<1x16xf32> to vector<16xf32>
    %sub3A_782 = arith.subf %get3A_776, %get3A_781 : vector<16xf32>
    %swap3A_783 = arith.constant 3 : i32
    %swap3A_784 = arith.index_cast %swap3A_783 : i32 to index
    %swap3A_785 = arith.constant 80 : index
    %swap3A_786 = tpu.vector_load %arg11[%swap3A_784, %swap3A_785] {strides = array<i32>} : memref<4x128xf32, #tpu.memory_space<vmem>>, vector<1x16xf32>,
    %swap3A_787 = vector.shape_cast %swap3A_786 : vector<1x16xf32> to vector<16xf32>
    %swap3A_788 = vector.shape_cast %sub3A_782 : vector<16xf32> to vector<1x16xf32>
    tpu.vector_store %arg11[%swap3A_784, %swap3A_785], %swap3A_788 {strides = array<i32>} : memref<4x128xf32, #tpu.memory_space<vmem>>, vector<1x16xf32>,
    %get3A_789 = arith.constant 3 : i32
    %get3A_790 = arith.index_cast %get3A_789 : i32 to index
    %get3A_791 = arith.constant 96 : index
    %get3A_792 = tpu.vector_load %arg11[%get3A_790, %get3A_791] {strides = array<i32>} : memref<4x128xf32, #tpu.memory_space<vmem>>, vector<1x16xf32>,
    %get3A_793 = vector.shape_cast %get3A_792 : vector<1x16xf32> to vector<16xf32>
    %get3A_794 = arith.constant 3 : i32
    %get3A_795 = arith.index_cast %get3A_794 : i32 to index
    %get3A_796 = arith.constant 96 : index
    %get3A_797 = tpu.vector_load %arg12[%get3A_795, %get3A_796] {strides = array<i32>} : memref<4x128xf32, #tpu.memory_space<vmem>>, vector<1x16xf32>,
    %get3A_798 = vector.shape_cast %get3A_797 : vector<1x16xf32> to vector<16xf32>
    %sub3A_799 = arith.subf %get3A_793, %get3A_798 : vector<16xf32>
    %swap3A_800 = arith.constant 3 : i32
    %swap3A_801 = arith.index_cast %swap3A_800 : i32 to index
    %swap3A_802 = arith.constant 96 : index
    %swap3A_803 = tpu.vector_load %arg11[%swap3A_801, %swap3A_802] {strides = array<i32>} : memref<4x128xf32, #tpu.memory_space<vmem>>, vector<1x16xf32>,
    %swap3A_804 = vector.shape_cast %swap3A_803 : vector<1x16xf32> to vector<16xf32>
    %swap3A_805 = vector.shape_cast %sub3A_799 : vector<16xf32> to vector<1x16xf32>
    tpu.vector_store %arg11[%swap3A_801, %swap3A_802], %swap3A_805 {strides = array<i32>} : memref<4x128xf32, #tpu.memory_space<vmem>>, vector<1x16xf32>,
    %get3A_806 = arith.constant 3 : i32
    %get3A_807 = arith.index_cast %get3A_806 : i32 to index
    %get3A_808 = arith.constant 112 : index
    %get3A_809 = tpu.vector_load %arg11[%get3A_807, %get3A_808] {strides = array<i32>} : memref<4x128xf32, #tpu.memory_space<vmem>>, vector<1x16xf32>,
    %get3A_810 = vector.shape_cast %get3A_809 : vector<1x16xf32> to vector<16xf32>
    %get3A_811 = arith.constant 3 : i32
    %get3A_812 = arith.index_cast %get3A_811 : i32 to index
    %get3A_813 = arith.constant 112 : index
    %get3A_814 = tpu.vector_load %arg12[%get3A_812, %get3A_813] {strides = array<i32>} : memref<4x128xf32, #tpu.memory_space<vmem>>, vector<1x16xf32>,
    %get3A_815 = vector.shape_cast %get3A_814 : vector<1x16xf32> to vector<16xf32>
    %sub3A_816 = arith.subf %get3A_810, %get3A_815 : vector<16xf32>
    %swap3A_817 = arith.constant 3 : i32
    %swap3A_818 = arith.index_cast %swap3A_817 : i32 to index
    %swap3A_819 = arith.constant 112 : index
    %swap3A_820 = tpu.vector_load %arg11[%swap3A_818, %swap3A_819] {strides = array<i32>} : memref<4x128xf32, #tpu.memory_space<vmem>>, vector<1x16xf32>,
    %swap3A_821 = vector.shape_cast %swap3A_820 : vector<1x16xf32> to vector<16xf32>
    %swap3A_822 = vector.shape_cast %sub3A_816 : vector<16xf32> to vector<1x16xf32>
    tpu.vector_store %arg11[%swap3A_818, %swap3A_819], %swap3A_822 {strides = array<i32>} : memref<4x128xf32, #tpu.memory_space<vmem>>, vector<1x16xf32>,
    %dma_start3A_823 = arith.constant 3 : i32
    %dma_start3A_824 = arith.constant 3 : i32
    %dma_start3A_825 = arith.constant 0 : i32
    %dma_start3A_826 = tpu.memref_slice %arg11[%dma_start3A_823, %dma_start3A_825] : memref<4x128xf32, #tpu.memory_space<vmem>> -> memref<1x128xf32, #tpu.memory_space<vmem>>
    %dma_start3A_827 = tpu.memref_squeeze %dma_start3A_826 : memref<1x128xf32, #tpu.memory_space<vmem>> -> memref<128xf32, #tpu.memory_space<vmem>>
    %dma_start3A_828 = arith.constant 0 : i32
    %dma_start3A_829 = arith.constant 0 : i32
    %dma_start3A_830 = tpu.memref_slice %arg8[%add3A, %dma_start3A_828, %dma_start3A_829] : memref<32x4x128xf32, #tpu.memory_space<hbm>> -> memref<1x4x128xf32, #tpu.memory_space<hbm>>
    %dma_start3A_831 = tpu.memref_squeeze %dma_start3A_830 : memref<1x4x128xf32, #tpu.memory_space<hbm>> -> memref<4x128xf32, #tpu.memory_space<hbm>>
    %dma_start3A_832 = arith.constant 0 : i32
    %dma_start3A_833 = tpu.memref_slice %dma_start3A_831[%dma_start3A_824, %dma_start3A_832] : memref<4x128xf32, #tpu.memory_space<hbm>> -> memref<1x128xf32, #tpu.memory_space<hbm>>
    %dma_start3A_834 = tpu.memref_squeeze %dma_start3A_833 : memref<1x128xf32, #tpu.memory_space<hbm>> -> memref<128xf32, #tpu.memory_space<hbm>>
    %dma_start3A_835 = arith.constant 0 : i32
    %dma_start3A_836 = arith.constant 0 : i32
    %dma_start3A_837 = tpu.memref_slice %arg8[%add3A, %dma_start3A_835, %dma_start3A_836] : memref<32x4x128xf32, #tpu.memory_space<hbm>> -> memref<1x4x128xf32, #tpu.memory_space<hbm>>
    %dma_start3A_838 = tpu.memref_squeeze %dma_start3A_837 : memref<1x4x128xf32, #tpu.memory_space<hbm>> -> memref<4x128xf32, #tpu.memory_space<hbm>>
    %dma_start3A_839 = arith.constant 0 : i32
    %dma_start3A_840 = tpu.memref_slice %dma_start3A_838[%dma_start3A_824, %dma_start3A_839] : memref<4x128xf32, #tpu.memory_space<hbm>> -> memref<1x128xf32, #tpu.memory_space<hbm>>
    %dma_start3A_841 = tpu.memref_squeeze %dma_start3A_840 : memref<1x128xf32, #tpu.memory_space<hbm>> -> memref<128xf32, #tpu.memory_space<hbm>>
    %dma_start3A_842 = arith.constant 0 : i32
    %dma_start3A_843 = tpu.memref_slice %arg11[%dma_start3A_823, %dma_start3A_842] : memref<4x128xf32, #tpu.memory_space<vmem>> -> memref<1x128xf32, #tpu.memory_space<vmem>>
    %dma_start3A_844 = tpu.memref_squeeze %dma_start3A_843 : memref<1x128xf32, #tpu.memory_space<vmem>> -> memref<128xf32, #tpu.memory_space<vmem>>
    tpu.enqueue_dma source(%dma_start3A_844 : memref<128xf32, #tpu.memory_space<vmem>>) target(%dma_start3A_841 : memref<128xf32, #tpu.memory_space<hbm>>) target_semaphore(%arg15 : memref<!tpu.dma_semaphore, #tpu.memory_space<semaphore_mem>>)
    %dma_wait3A_845 = arith.constant 0 : i32
    %dma_wait3A_846 = arith.constant 0 : i32
    %dma_wait3A_847 = arith.constant 0 : i32
    %dma_wait3A_848 = tpu.memref_slice %arg11[%dma_wait3A_845, %dma_wait3A_847] : memref<4x128xf32, #tpu.memory_space<vmem>> -> memref<1x128xf32, #tpu.memory_space<vmem>>
    %dma_wait3A_849 = tpu.memref_squeeze %dma_wait3A_848 : memref<1x128xf32, #tpu.memory_space<vmem>> -> memref<128xf32, #tpu.memory_space<vmem>>
    %dma_wait3A_850 = arith.constant 0 : i32
    %dma_wait3A_851 = arith.constant 0 : i32
    %dma_wait3A_852 = tpu.memref_slice %arg8[%add3A, %dma_wait3A_850, %dma_wait3A_851] : memref<32x4x128xf32, #tpu.memory_space<hbm>> -> memref<1x4x128xf32, #tpu.memory_space<hbm>>
    %dma_wait3A_853 = tpu.memref_squeeze %dma_wait3A_852 : memref<1x4x128xf32, #tpu.memory_space<hbm>> -> memref<4x128xf32, #tpu.memory_space<hbm>>
    %dma_wait3A_854 = arith.constant 0 : i32
    %dma_wait3A_855 = tpu.memref_slice %dma_wait3A_853[%dma_wait3A_846, %dma_wait3A_854] : memref<4x128xf32, #tpu.memory_space<hbm>> -> memref<1x128xf32, #tpu.memory_space<hbm>>
    %dma_wait3A_856 = tpu.memref_squeeze %dma_wait3A_855 : memref<1x128xf32, #tpu.memory_space<hbm>> -> memref<128xf32, #tpu.memory_space<hbm>>
    %dma_wait3A_857 = arith.constant 0 : i32
    %dma_wait3A_858 = arith.constant 0 : i32
    %dma_wait3A_859 = tpu.memref_slice %arg8[%add3A, %dma_wait3A_857, %dma_wait3A_858] : memref<32x4x128xf32, #tpu.memory_space<hbm>> -> memref<1x4x128xf32, #tpu.memory_space<hbm>>
    %dma_wait3A_860 = tpu.memref_squeeze %dma_wait3A_859 : memref<1x4x128xf32, #tpu.memory_space<hbm>> -> memref<4x128xf32, #tpu.memory_space<hbm>>
    %dma_wait3A_861 = arith.constant 0 : i32
    %dma_wait3A_862 = tpu.memref_slice %dma_wait3A_860[%dma_wait3A_846, %dma_wait3A_861] : memref<4x128xf32, #tpu.memory_space<hbm>> -> memref<1x128xf32, #tpu.memory_space<hbm>>
    %dma_wait3A_863 = tpu.memref_squeeze %dma_wait3A_862 : memref<1x128xf32, #tpu.memory_space<hbm>> -> memref<128xf32, #tpu.memory_space<hbm>>
    %dma_wait3A_864 = arith.constant 0 : i32
    %dma_wait3A_865 = tpu.memref_slice %arg11[%dma_wait3A_845, %dma_wait3A_864] : memref<4x128xf32, #tpu.memory_space<vmem>> -> memref<1x128xf32, #tpu.memory_space<vmem>>
    %dma_wait3A_866 = tpu.memref_squeeze %dma_wait3A_865 : memref<1x128xf32, #tpu.memory_space<vmem>> -> memref<128xf32, #tpu.memory_space<vmem>>
    tpu.wait_dma2 semaphore(%arg15 : memref<!tpu.dma_semaphore, #tpu.memory_space<semaphore_mem>>) src(%dma_wait3A_866 : memref<128xf32, #tpu.memory_space<vmem>>) dst(%dma_wait3A_863 : memref<128xf32, #tpu.memory_space<hbm>>)
    %dma_wait3A_867 = arith.constant 1 : i32
    %dma_wait3A_868 = arith.constant 1 : i32
    %dma_wait3A_869 = arith.constant 0 : i32
    %dma_wait3A_870 = tpu.memref_slice %arg11[%dma_wait3A_867, %dma_wait3A_869] : memref<4x128xf32, #tpu.memory_space<vmem>> -> memref<1x128xf32, #tpu.memory_space<vmem>>
    %dma_wait3A_871 = tpu.memref_squeeze %dma_wait3A_870 : memref<1x128xf32, #tpu.memory_space<vmem>> -> memref<128xf32, #tpu.memory_space<vmem>>
    %dma_wait3A_872 = arith.constant 0 : i32
    %dma_wait3A_873 = arith.constant 0 : i32
    %dma_wait3A_874 = tpu.memref_slice %arg8[%add3A, %dma_wait3A_872, %dma_wait3A_873] : memref<32x4x128xf32, #tpu.memory_space<hbm>> -> memref<1x4x128xf32, #tpu.memory_space<hbm>>
    %dma_wait3A_875 = tpu.memref_squeeze %dma_wait3A_874 : memref<1x4x128xf32, #tpu.memory_space<hbm>> -> memref<4x128xf32, #tpu.memory_space<hbm>>
    %dma_wait3A_876 = arith.constant 0 : i32
    %dma_wait3A_877 = tpu.memref_slice %dma_wait3A_875[%dma_wait3A_868, %dma_wait3A_876] : memref<4x128xf32, #tpu.memory_space<hbm>> -> memref<1x128xf32, #tpu.memory_space<hbm>>
    %dma_wait3A_878 = tpu.memref_squeeze %dma_wait3A_877 : memref<1x128xf32, #tpu.memory_space<hbm>> -> memref<128xf32, #tpu.memory_space<hbm>>
    %dma_wait3A_879 = arith.constant 0 : i32
    %dma_wait3A_880 = arith.constant 0 : i32
    %dma_wait3A_881 = tpu.memref_slice %arg8[%add3A, %dma_wait3A_879, %dma_wait3A_880] : memref<32x4x128xf32, #tpu.memory_space<hbm>> -> memref<1x4x128xf32, #tpu.memory_space<hbm>>
    %dma_wait3A_882 = tpu.memref_squeeze %dma_wait3A_881 : memref<1x4x128xf32, #tpu.memory_space<hbm>> -> memref<4x128xf32, #tpu.memory_space<hbm>>
    %dma_wait3A_883 = arith.constant 0 : i32
    %dma_wait3A_884 = tpu.memref_slice %dma_wait3A_882[%dma_wait3A_868, %dma_wait3A_883] : memref<4x128xf32, #tpu.memory_space<hbm>> -> memref<1x128xf32, #tpu.memory_space<hbm>>
    %dma_wait3A_885 = tpu.memref_squeeze %dma_wait3A_884 : memref<1x128xf32, #tpu.memory_space<hbm>> -> memref<128xf32, #tpu.memory_space<hbm>>
    %dma_wait3A_886 = arith.constant 0 : i32
    %dma_wait3A_887 = tpu.memref_slice %arg11[%dma_wait3A_867, %dma_wait3A_886] : memref<4x128xf32, #tpu.memory_space<vmem>> -> memref<1x128xf32, #tpu.memory_space<vmem>>
    %dma_wait3A_888 = tpu.memref_squeeze %dma_wait3A_887 : memref<1x128xf32, #tpu.memory_space<vmem>> -> memref<128xf32, #tpu.memory_space<vmem>>
    tpu.wait_dma2 semaphore(%arg15 : memref<!tpu.dma_semaphore, #tpu.memory_space<semaphore_mem>>) src(%dma_wait3A_888 : memref<128xf32, #tpu.memory_space<vmem>>) dst(%dma_wait3A_885 : memref<128xf32, #tpu.memory_space<hbm>>)
    %dma_wait3A_889 = arith.constant 2 : i32
    %dma_wait3A_890 = arith.constant 2 : i32
    %dma_wait3A_891 = arith.constant 0 : i32
    %dma_wait3A_892 = tpu.memref_slice %arg11[%dma_wait3A_889, %dma_wait3A_891] : memref<4x128xf32, #tpu.memory_space<vmem>> -> memref<1x128xf32, #tpu.memory_space<vmem>>
    %dma_wait3A_893 = tpu.memref_squeeze %dma_wait3A_892 : memref<1x128xf32, #tpu.memory_space<vmem>> -> memref<128xf32, #tpu.memory_space<vmem>>
    %dma_wait3A_894 = arith.constant 0 : i32
    %dma_wait3A_895 = arith.constant 0 : i32
    %dma_wait3A_896 = tpu.memref_slice %arg8[%add3A, %dma_wait3A_894, %dma_wait3A_895] : memref<32x4x128xf32, #tpu.memory_space<hbm>> -> memref<1x4x128xf32, #tpu.memory_space<hbm>>
    %dma_wait3A_897 = tpu.memref_squeeze %dma_wait3A_896 : memref<1x4x128xf32, #tpu.memory_space<hbm>> -> memref<4x128xf32, #tpu.memory_space<hbm>>
    %dma_wait3A_898 = arith.constant 0 : i32
    %dma_wait3A_899 = tpu.memref_slice %dma_wait3A_897[%dma_wait3A_890, %dma_wait3A_898] : memref<4x128xf32, #tpu.memory_space<hbm>> -> memref<1x128xf32, #tpu.memory_space<hbm>>
    %dma_wait3A_900 = tpu.memref_squeeze %dma_wait3A_899 : memref<1x128xf32, #tpu.memory_space<hbm>> -> memref<128xf32, #tpu.memory_space<hbm>>
    %dma_wait3A_901 = arith.constant 0 : i32
    %dma_wait3A_902 = arith.constant 0 : i32
    %dma_wait3A_903 = tpu.memref_slice %arg8[%add3A, %dma_wait3A_901, %dma_wait3A_902] : memref<32x4x128xf32, #tpu.memory_space<hbm>> -> memref<1x4x128xf32, #tpu.memory_space<hbm>>
    %dma_wait3A_904 = tpu.memref_squeeze %dma_wait3A_903 : memref<1x4x128xf32, #tpu.memory_space<hbm>> -> memref<4x128xf32, #tpu.memory_space<hbm>>
    %dma_wait3A_905 = arith.constant 0 : i32
    %dma_wait3A_906 = tpu.memref_slice %dma_wait3A_904[%dma_wait3A_890, %dma_wait3A_905] : memref<4x128xf32, #tpu.memory_space<hbm>> -> memref<1x128xf32, #tpu.memory_space<hbm>>
    %dma_wait3A_907 = tpu.memref_squeeze %dma_wait3A_906 : memref<1x128xf32, #tpu.memory_space<hbm>> -> memref<128xf32, #tpu.memory_space<hbm>>
    %dma_wait3A_908 = arith.constant 0 : i32
    %dma_wait3A_909 = tpu.memref_slice %arg11[%dma_wait3A_889, %dma_wait3A_908] : memref<4x128xf32, #tpu.memory_space<vmem>> -> memref<1x128xf32, #tpu.memory_space<vmem>>
    %dma_wait3A_910 = tpu.memref_squeeze %dma_wait3A_909 : memref<1x128xf32, #tpu.memory_space<vmem>> -> memref<128xf32, #tpu.memory_space<vmem>>
    tpu.wait_dma2 semaphore(%arg15 : memref<!tpu.dma_semaphore, #tpu.memory_space<semaphore_mem>>) src(%dma_wait3A_910 : memref<128xf32, #tpu.memory_space<vmem>>) dst(%dma_wait3A_907 : memref<128xf32, #tpu.memory_space<hbm>>)
    %dma_wait3A_911 = arith.constant 3 : i32
    %dma_wait3A_912 = arith.constant 3 : i32
    %dma_wait3A_913 = arith.constant 0 : i32
    %dma_wait3A_914 = tpu.memref_slice %arg11[%dma_wait3A_911, %dma_wait3A_913] : memref<4x128xf32, #tpu.memory_space<vmem>> -> memref<1x128xf32, #tpu.memory_space<vmem>>
    %dma_wait3A_915 = tpu.memref_squeeze %dma_wait3A_914 : memref<1x128xf32, #tpu.memory_space<vmem>> -> memref<128xf32, #tpu.memory_space<vmem>>
    %dma_wait3A_916 = arith.constant 0 : i32
    %dma_wait3A_917 = arith.constant 0 : i32
    %dma_wait3A_918 = tpu.memref_slice %arg8[%add3A, %dma_wait3A_916, %dma_wait3A_917] : memref<32x4x128xf32, #tpu.memory_space<hbm>> -> memref<1x4x128xf32, #tpu.memory_space<hbm>>
    %dma_wait3A_919 = tpu.memref_squeeze %dma_wait3A_918 : memref<1x4x128xf32, #tpu.memory_space<hbm>> -> memref<4x128xf32, #tpu.memory_space<hbm>>
    %dma_wait3A_920 = arith.constant 0 : i32
    %dma_wait3A_921 = tpu.memref_slice %dma_wait3A_919[%dma_wait3A_912, %dma_wait3A_920] : memref<4x128xf32, #tpu.memory_space<hbm>> -> memref<1x128xf32, #tpu.memory_space<hbm>>
    %dma_wait3A_922 = tpu.memref_squeeze %dma_wait3A_921 : memref<1x128xf32, #tpu.memory_space<hbm>> -> memref<128xf32, #tpu.memory_space<hbm>>
    %dma_wait3A_923 = arith.constant 0 : i32
    %dma_wait3A_924 = arith.constant 0 : i32
    %dma_wait3A_925 = tpu.memref_slice %arg8[%add3A, %dma_wait3A_923, %dma_wait3A_924] : memref<32x4x128xf32, #tpu.memory_space<hbm>> -> memref<1x4x128xf32, #tpu.memory_space<hbm>>
    %dma_wait3A_926 = tpu.memref_squeeze %dma_wait3A_925 : memref<1x4x128xf32, #tpu.memory_space<hbm>> -> memref<4x128xf32, #tpu.memory_space<hbm>>
    %dma_wait3A_927 = arith.constant 0 : i32
    %dma_wait3A_928 = tpu.memref_slice %dma_wait3A_926[%dma_wait3A_912, %dma_wait3A_927] : memref<4x128xf32, #tpu.memory_space<hbm>> -> memref<1x128xf32, #tpu.memory_space<hbm>>
    %dma_wait3A_929 = tpu.memref_squeeze %dma_wait3A_928 : memref<1x128xf32, #tpu.memory_space<hbm>> -> memref<128xf32, #tpu.memory_space<hbm>>
    %dma_wait3A_930 = arith.constant 0 : i32
    %dma_wait3A_931 = tpu.memref_slice %arg11[%dma_wait3A_911, %dma_wait3A_930] : memref<4x128xf32, #tpu.memory_space<vmem>> -> memref<1x128xf32, #tpu.memory_space<vmem>>
    %dma_wait3A_932 = tpu.memref_squeeze %dma_wait3A_931 : memref<1x128xf32, #tpu.memory_space<vmem>> -> memref<128xf32, #tpu.memory_space<vmem>>
    tpu.wait_dma2 semaphore(%arg15 : memref<!tpu.dma_semaphore, #tpu.memory_space<semaphore_mem>>) src(%dma_wait3A_932 : memref<128xf32, #tpu.memory_space<vmem>>) dst(%dma_wait3A_929 : memref<128xf32, #tpu.memory_space<hbm>>)
    return
  }
}

</mosaic_0001>

<sc_bundles>
// kernel: _irt.3.cloned.1.call-start
scs
__scs_entry_jumppad:
0x0: {  	(pc) =	sbr.rel $0x88, $3  }
0x1: {  	(tag) =	ssettag $0x0;
	lr =	simm.s32 $0x1  }
0x2: {  	[smem:$0x3F9D] =	sst lr;
	_ =	strace $0xD0000000  }
0x3: {  	_ = 	snop  }
0x4: {  	_ = 	snop  }
0x5: {  	_ = 	snop  }
0x6: {  	_ = 	snop  }
0x7: {  	_ = 	snop  }
__scs_overlays_trampoline_lowered:
0x8: {  	[smem:$0x3FAC] =	sst s0  }
0x9: {  	[smem:$0x3FAD] =	sst s1  }
0xa: {  	[smem:$0x3FAE] =	sst s2  }
0xb: {  	[smem:$0x3FAF] =	sst s3  }
0xc: {  	[smem:$0x3FB0] =	sst s4  }
0xd: {  	[smem:$0x3FB1] =	sst s5  }
0xe: {  	[smem:$0x3FB2] =	sst s6  }
0xf: {  	[smem:$0x3FB3] =	sst s7  }
0x10: {  	[smem:$0x3FB4] =	sst s8  }
0x11: {  	[smem:$0x3FB5] =	sst s9;
	s0 =	simm.s32 @!p0 $0x0  }
0x12: {  	s1 =	sld [smem:$0x3F9B];
	s0 =	simm.s32 @p0 $0x1  }
0x13: {  	[smem:$0x3FB6] =	sst s0;
	s0 =	simm.s32 @!p1 $0x0  }
0x14: {  	s2 =	sld [smem:$0x3F9A];
	s0 =	simm.s32 @p1 $0x1  }
0x15: {  	[smem:$0x3FB7] =	sst s0;
	s0 =	simm.s32 @!p2 $0x0  }
0x16: {  	s3 =	sld [smem:$0x3FDB];
	s0 =	simm.s32 @p2 $0x1  }
0x17: {  	s4 =	simm.s32 $0x1BF5;
	[smem:$0x3FB9] =	sst s0  }
0x18: {  	s0 =	sld [smem:$0x3F9C];
	_ =	swait.ge [sflag:s4], $0x0  }
0x19: {  	s7 =	sld [smem:$0x3F9D]  }
0x1a: {  	s8 =	sadd.s32 $0xFFFFE003, lr  }
0x1b: {  	s9 =	sadd.s32 $0xFFFFFEF7, lr;
	s5 =	simm.s32 $0xFFFFFFFF;
	p2 =	slt.u32 s8, $0xFFFFF086  }
0x1c: {  	p1 =	slt.u32 s9, $0xF7A;
	s5 =	simm.s32 @!p2 $0x0  }
0x1d: {  	s5 =	simm.s32 @p1 $0x1;
	p0 =	seq.s32 s7, s2  }
0x1e: {  	s7 =	smul.u32 @!p0 $0xF7A, s2;
	p2 =	seq.s32 @!p0 s5, $0x0  }
0x1f: {  	s9 =	smul.u32 $0xF7A, s1;
	s8 =	simm.s32 @!p0 $0x1BF5;
	p2 =	por !p2, p0  }
0x20: {  	[sflag:s8] =	ssyncset.s32 @!p0 $0xFFFFF086;
	s6 =	sadd.s32 @!p0 s3, s7;
	s7 =	simm.s32 @!p0 $0x108  }
0x21: {  	s3 =	sadd.s32 s3, s9;
	s6 =	sadd.s32 @!p0 $0x88, s6;
	s7 =	simm.s32 @p2 $0x1082  }
0x22: {  	[simem:s7], [sflag:s8] =	dma.local @!p0 [hbm:s6], $0xF7A  }
0x23: {  	s9 =	sor.u32 $0xD0000000, s2;
	s6 =	simm.s32 $0x108;
	_ =	swait.ge @!p0 [sflag:s8], $0x0  }
0x24: {  	s3 =	sadd.s32 $0x88, s3;
	s6 =	simm.s32 @!p1 $0x1082;
	[sflag:s4] =	ssyncset.s32 $0xFFFFF086  }
0x25: {  	[simem:s6], [sflag:s4] =	dma.local [hbm:s3], $0xF7A  }
0x26: {  	[smem:$0x3F9D] =	sst s1;
	(tag) =	ssettag s2;
	_ =	strace s9  }
0x27: {  	s1 =	sld [smem:$0x3FAD]  }
0x28: {  	s2 =	sld [smem:$0x3FAE]  }
0x29: {  	s4 =	sld [smem:$0x3FB0]  }
0x2a: {  	p0 =	seq.s32 s5, $0x0;
	s5 =	sld [smem:$0x3FB1]  }
0x2b: {  	s6 =	sld [smem:$0x3FB2]  }
0x2c: {  	s7 =	sld [smem:$0x3FB3]  }
0x2d: {  	s3 =	simm.s32 $0x108;
	s8 =	sld [smem:$0x3FB4]  }
0x2e: {  	s3 =	simm.s32 @!p0 $0x1082;
	s9 =	sld [smem:$0x3FB5]  }
0x2f: {  	lr =	sadd.s32 s0, s3;
	s0 =	sld [smem:$0x3FAC]  }
0x30: {  	s3 =	sld [smem:$0x3FAF]  }
0x31: {  	[smem:$0x3FB8] =	sst s10  }
0x32: {  	s10 =	sld [smem:$0x3FB6];
	_ =	sdelay $0x3  }
0x33: {  	p0 =	seq.s32 s10, $0x1;
	s10 =	sld [smem:$0x3FB8];
	_ =	sdelay $0x3  }
0x34: {  	[smem:$0x3FB8] =	sst s10  }
0x35: {  	s10 =	sld [smem:$0x3FB7];
	_ =	sdelay $0x3  }
0x36: {  	p1 =	seq.s32 s10, $0x1;
	s10 =	sld [smem:$0x3FB8];
	_ =	sdelay $0x3  }
0x37: {  	[smem:$0x3FB8] =	sst s10  }
0x38: {  	s10 =	sld [smem:$0x3FB9]  }
0x39: {  	_ = 	snop;
	(pc) =	sbr.ind lr, $3  }
0x3a: {  	_ = 	snop  }
0x3b: {  	_ = 	snop  }
0x3c: {  	p2 =	seq.s32 s10, $0x1;
	s10 =	sld [smem:$0x3FB8]  }
0x3d: {  	_ =	shalt  }
0x3e: {  	_ =	shalt  }
0x3f: {  	_ =	shalt  }
0x40: {  	_ =	shalt  }
0x41: {  	_ =	shalt  }
0x42: {  	_ =	shalt  }
0x43: {  	_ =	shalt  }
0x44: {  	_ =	shalt  }
0x45: {  	_ =	shalt  }
0x46: {  	_ =	shalt  }
0x47: {  	_ =	shalt  }
0x48: {  	_ =	shalt  }
0x49: {  	_ =	shalt  }
0x4a: {  	_ =	shalt  }
0x4b: {  	_ =	shalt  }
0x4c: {  	_ =	shalt  }
0x4d: {  	_ =	shalt  }
0x4e: {  	_ =	shalt  }
0x4f: {  	_ =	shalt  }
0x50: {  	_ =	shalt  }
0x51: {  	_ =	shalt  }
0x52: {  	_ =	shalt  }
0x53: {  	_ =	shalt  }
0x54: {  	_ =	shalt  }
0x55: {  	_ =	shalt  }
0x56: {  	_ =	shalt  }
0x57: {  	_ =	shalt  }
0x58: {  	_ =	shalt  }
0x59: {  	_ =	shalt  }
0x5a: {  	_ =	shalt  }
0x5b: {  	_ =	shalt  }
0x5c: {  	_ =	shalt  }
0x5d: {  	_ =	shalt  }
0x5e: {  	_ =	shalt  }
0x5f: {  	_ =	shalt  }
0x60: {  	_ =	shalt  }
0x61: {  	_ =	shalt  }
0x62: {  	_ =	shalt  }
0x63: {  	_ =	shalt  }
0x64: {  	_ =	shalt  }
0x65: {  	_ =	shalt  }
0x66: {  	_ =	shalt  }
0x67: {  	_ =	shalt  }
0x68: {  	_ =	shalt  }
0x69: {  	_ =	shalt  }
0x6a: {  	_ =	shalt  }
0x6b: {  	_ =	shalt  }
0x6c: {  	_ =	shalt  }
0x6d: {  	_ =	shalt  }
0x6e: {  	_ =	shalt  }
0x6f: {  	_ =	shalt  }
0x70: {  	_ =	shalt  }
0x71: {  	_ =	shalt  }
0x72: {  	_ =	shalt  }
0x73: {  	_ =	shalt  }
0x74: {  	_ =	shalt  }
0x75: {  	_ =	shalt  }
0x76: {  	_ =	shalt  }
0x77: {  	_ =	shalt  }
0x78: {  	_ =	shalt  }
0x79: {  	_ =	shalt  }
0x7a: {  	_ =	shalt  }
0x7b: {  	_ =	shalt  }
0x7c: {  	_ =	shalt  }
0x7d: {  	_ =	shalt  }
0x7e: {  	_ =	shalt  }
0x7f: {  	_ =	shalt  }
0x80: {  	_ =	shalt  }
0x81: {  	_ =	shalt  }
0x82: {  	_ =	shalt  }
0x83: {  	_ =	shalt  }
0x84: {  	_ =	shalt  }
0x85: {  	_ =	shalt  }
0x86: {  	_ =	shalt  }
0x87: {  	_ =	shalt  }
.Lfunc_end0:
.L_simem_size_0:
called_computation_lowered:
.L_overlay_start_0:
0x88: {  	s2 =	sld [smem:$0x3FD9]  }
0x89: {  	s3 =	sld [smem:$0x3FFE];
	_ =	sdelay $0x1  }
0x8a: {  	s1 =	srdreg.scid  }
0x8b: {  	s0 =	sand.u32 $0x1, s1  }
0x8c: {  	s17 =	sshll.u32 s0, $0xA;
	s2 =	sadd.s32 s3, s2  }
0x8d: {  	s2 =	sadd.s32 s2, s17  }
0x8e: {  	[smem:$0x3FC4] =	sst s2  }
0x8f: {  	_ = 	snop  }
0x90: {  	s2 =	sld [smem:$0x3FC9]  }
0x91: {  	s18 =	sld [smem:$0x3FC8]  }
0x92: {  	s4 =	sld [smem:$0x3FC7]  }
0x93: {  	s5 =	sld [smem:$0x3FC6]  }
0x94: {  	s6 =	sld [smem:$0x3FD0];
	(tm) =	ssettm $0x1  }
0x95: {  	s7 =	sld [smem:$0x3FFB];
	_ =	sdelay $0x3  }
0x96: {  	_ =	strace s7  }
0x97: {  	s7 =	sld [smem:$0x3FFC];
	_ =	sdelay $0x3  }
0x98: {  	_ =	strace s7  }
0x99: {  	s7 =	sld [smem:$0x3FFD];
	_ =	sdelay $0x3  }
0x9a: {  	_ =	strace s7  }
0x9b: {  	_ =	strace $0x8FFFFFFF  }
0x9c: {  	s19 =	sld [smem:$0x3FDB];
	_ =	sdelay $0x1  }
0x9d: {  	s8 =	simm.s32 $_scs_section_size  }
0x9e: {  	s9 =	simm.s32 $_size__tile_overlayer_lowered;
	s10 =	simm.s32 $_tile_overlayer_lowered  }
0x9f: {  	s22 =	simm.s32 $0x1BFF;
	s21 =	sshll.u32 s10, $0x1;
	s7 =	sadd.s32 s8, s19  }
0xa0: {  	s11 =	simm.s32 $0x0;
	s20 =	sshll.u32 s9, $0x1;
	s9 =	sadd.s32 s21, s7  }
0xa1: {  	[timem:s11], [sflag:s22] =	dma.local [hbm:s9], s20  }
0xa2: {  	_ =	swait.ge [sflag:s22], s20  }
0xa3: {  	s8 =	ssub.s32 $0x0, s20;
	[sflag:s22] =	ssyncset.done $0x0  }
0xa4: {  	[sflag:s22] =	ssyncadd.s32 s8;
	_ =	sdelay $0x1  }
0xa5: {  	s23 =	simm.s32 $0x1B8B  }
0xa6: {  	_ =	swait.ge [sflag:s23], $0x1  }
0xa7: {  	[sflag:s23] =	ssyncset.done $0x0  }
0xa8: {  	s25 =	simm.s32 $0x1B8E;
	s24 =	sld [smem:$0x3FFE];
	[sflag:s23] =	ssyncadd.s32 $0xFFFFFFFF  }
0xa9: {  	s26 =	simm.s32 $execute0_lowered;
	[smem:$0x3FD2] =	sst s25  }
0xaa: {  	s9 =	sshll.u32 s26, $0x1;
	_ =	strace $0x80000046;
	[dreg:$0x1] =	wrdreg $0xFFFFFFFF  }
0xab: {  	s28 =	simm.s32 $_size_execute0_lowered;
	s7 =	sadd.s32 s7, s9;
	[dreg:$0x0] =	wrdreg $0x0  }
0xac: {  	s9 =	sshll.u32 s28, $0x1;
	[dreg:$0x2] =	wrdreg s7  }
0xad: {  	[dreg:$0x3] =	wrdreg s9  }
0xae: {  	[dreg:$0x4] =	wrdreg $0xC0  }
0xaf: {  	_ =	task [dreg:s11], $0x5FFFF  }
0xb0: {  	[dreg:$0x1] =	wrdreg $0xFFFFFFFF  }
0xb1: {  	[dreg:$0x0] =	wrdreg $0x60  }
0xb2: {  	[dreg:$0x2] =	wrdreg s2  }
0xb3: {  	[dreg:$0x3] =	wrdreg s18  }
0xb4: {  	[dreg:$0x4] =	wrdreg s4  }
0xb5: {  	[dreg:$0x5] =	wrdreg s5  }
0xb6: {  	[dreg:$0x6] =	wrdreg s24  }
0xb7: {  	[dreg:$0x7] =	wrdreg s6  }
0xb8: {  	[dreg:$0x8] =	wrdreg $0x8000  }
0xb9: {  	[dreg:$0x9] =	wrdreg $0x20800  }
0xba: {  	[dreg:$0xa] =	wrdreg $0x9  }
0xbb: {  	_ =	task.clear_ibuf [dreg:s11], $0xBFFFF;
	_ =	strace $0x90000046  }
0xbc: {  	s29 =	simm.s32 $0x9;
	_ =	strace $0x80000048  }
0xbd: {  	_ =	swait.ge [sflag:s29], $0x1  }
0xbe: {  	[sflag:s29] =	ssyncadd.s32 $0xFFFFFFFF  }
0xbf: {  	_ =	strace $0x90000048  }
0xc0: {  	_ =	sfence  }
0xc1: {  	s30 =	sld [smem:$0x0];
	_ =	sdelay $0x2  }
0xc2: {  	s31 =	sshll.u32 s1, $0xD;
	s1 =	sshrl.u32 s1, $0x2  }
0xc3: {  	s3 =	sand.u32 $0x4000, s31;
	s1 =	sadd.s32 s1, s30  }
0xc4: {  	s0 =	sor.u32 s3, s0;
	s1 =	sshll.u32 s1, $0x11  }
0xc5: {  	s0 =	sor.u32 s1, s0  }
0xc6: {  	s0 =	sadd.s32 $0x8F2B, s0  }
0xc7: {  	[sflag:s0] =	ssyncadd.remote.s32 $0x1  }
0xc8: {  	_ =	sfence.sel $0xFFFF  }
0xc9: {  	[dreg:$0x0] =	wrdreg $0xFFFFFFFF;
	(pc) =	sbr.abs _section_cstart, $3  }
0xca: {  	[dreg:$0x1] =	wrdreg $0xFFFFFFFF  }
0xcb: {  	_ =	task.clear_ibuf [dreg:s11], $0x2FFFF;
	_ =	strace $0x9FFFFFFF  }
0xcc: {  	(tm) =	ssettm $0x7FFFFFFF  }
0xcd: {  	_ =	shalt  }
tec
execute0_lowered:
.L_overlay_start_1:
0x0: {  	(tag) =	ssettag $0x1  }
0x1: {  	s0 =	rddreg [dreg:$0x0]  }
0x2: {  	s1 =	rddreg [dreg:$0x1]  }
0x3: {  	s5 =	rddreg [dreg:$0x2]  }
0x4: {  	s10 =	rddreg [dreg:$0x3]  }
0x5: {  	s7 =	rddreg [dreg:$0x4]  }
0x6: {  	s11 =	rddreg [dreg:$0x5]  }
0x7: {  	s2 =	rddreg [dreg:$0x6]  }
0x8: {  	s3 =	rddreg [dreg:$0x7]  }
0x9: {  	s4 =	simm.s32 $0x0;
	s6 =	srdreg.scid;
	s17 =	stileid.u32  }
0xa: {  	s28 =	simm.s32 $0x100;
	s29 =	simm.s32 $0x500;
	s30 =	simm.s32 $0x300  }
0xb: {  	s31 =	simm.s32 $0x700;
	[smem:$0x7FF] =	sst s4;
	s7 =	sadd.s32 $0x200, s7  }
0xc: {  	s6 =	sand.u32 $0x1, s6;
	s8 =	sshll.u32 s17, $0x7;
	s13 =	smul.u32 $0x1800, s17  }
0xd: {  	s21 =	sshll.u32 s17, $0x6;
	s23 =	sadd.s32 $0x18000, s3;
	s25 =	sadd.s32 $0x18000, s2  }
0xe: {  	p0 =	seq.s32 s17, $0x1;
	p1 =	sne.s32 s17, $0x0;
	s17 =	simm.s32 $0x380  }
0xf: {  	_ =	strace $0x80000047;
	[dreg:$0x9] =	wrdreg s7;
	s18 =	ssub.s32 $0x2, s6  }
0x10: {  	s6 =	sshll.u32 s6, $0x6;
	s24 =	sshrl.u32 s23, $0x3;
	s23 =	simm.s32 $0x480  }
0x11: {  	s26 =	sshrl.u32 s25, $0x3;
	s9 =	sshrl.u32 s18, $0x1;
	s12 =	sor.u32 s6, s8  }
0x12: {  	s19 =	sadd.s32 s13, s2;
	s20 =	sshrl.u32 s13, $0x3;
	s22 =	sadd.s32 s13, s3  }
0x13: {  	s13 =	simm.s32 $0x200;
	[dreg:$0xa] =	wrdreg s24;
	s24 =	simm.s32 $0x280  }
0x14: {  	[dreg:$0xb] =	wrdreg s26;
	s26 =	simm.s32 $0x680;
	s14 =	ssub.s32 s18, s9  }
0x15: {  	s6 =	sadd.s32 s0, s12;
	s7 =	sadd.s32 s1, s12;
	s8 =	sadd.s32 s5, s20  }
.Ltmp0:
0x16: {  	s9 =	sor.u32 $0x1C01, s21;
	s10 =	sadd.s32 s10, s20;
	(pc) =	sbr.rel .LBB2_1-.Ltmp0, $4  }
0x17: {  	s11 =	sadd.s32 s11, s12;
	s15 =	sshrl.u32 s22, $0x3;
	s18 =	simm.s32 $0x2  }
0x18: {  	s20 =	simm.s32 $0x80;
	s21 =	simm.s32 $0x400;
	s22 =	simm.s32 $0x600  }
0x19: {  	s0 =	simm.s32 $0x180;
	s1 =	simm.s32 $0x580;
	s5 =	simm.s32 $0x780  }
0x1a: {  	s12 =	smax.u32 s14, $0x1;
	s14 =	sshrl.u32 s19, $0x3;
	s19 =	simm.s32 $0x1  }
.LBB2_4:
0x1b: {  	s16 =	rddreg [dreg:$0x9]  }
0x1c: {  	s25 =	rddreg [dreg:$0xa];
	s22 =	simm.s32 $0x1C42  }
0x1d: {  	[spmem:s25], [sflag:s22] =	dma.local [hbm:s16], $0x100  }
0x1e: {  	s22 =	simm.s32 $0x600  }
.LBB2_5:
0x1f: {  	_ =	swait.ge [sflag:s18], $0x100  }
0x20: {  	[sflag:s18] =	ssyncset.done $0x0  }
0x21: {  	[sflag:s18] =	ssyncadd.s32 $0xFFFFFF00  }
.LBB2_6:
0x22: {  	_ =	swait.ge [sflag:s19], $0x300  }
0x23: {  	[sflag:s19] =	ssyncset.done $0x0  }
0x24: {  	[sflag:s19] =	ssyncadd.s32 $0xFFFFFD00  }
0x25: {  	_ =	swait.ge [sflag:s19], $0x300  }
0x26: {  	[sflag:s19] =	ssyncset.done $0x0  }
0x27: {  	[sflag:s19] =	ssyncadd.s32 $0xFFFFFD00  }
0x28: {  	[bflag:$0x0] =	sbarrier.arrive $0xFFFF  }
0x29: {  	_ =	swait.ge [sflag:s19], $0x200  }
0x2a: {  	[sflag:s19] =	ssyncset.done $0x0  }
0x2b: {  	[sflag:s19] =	ssyncadd.s32 $0xFFFFFE00  }
0x2c: {  	_ =	swait.ge [sflag:s19], $0x200  }
0x2d: {  	[sflag:s19] =	ssyncset.done $0x0  }
0x2e: {  	[sflag:s19] =	ssyncadd.s32 $0xFFFFFE00  }
0x2f: {  	[tilespmem:s21], [sflag:$0x1] =	stream.indirect.gather [spmem:s2], $0x1, s4, s20, $0xb8;
	[tilespmem:$0x3900] =	vst v63  }
0x30: {  	_ = 	snop  }
0x31: {  	[tilespmem:s22], [sflag:$0x1] =	stream.indirect.gather [spmem:s3], $0x1, s13, s20, $0xb8;
	[tilespmem:$0x3900] =	vst v63  }
0x32: {  	_ = 	snop  }
0x33: {  	[tilespmem:s23], [sflag:$0x1] =	stream.indirect.gather [spmem:s2], $0x1, s20, s20, $0xb8;
	[tilespmem:$0x3900] =	vst v63  }
0x34: {  	_ = 	snop  }
0x35: {  	[tilespmem:s26], [sflag:$0x1] =	stream.indirect.gather [spmem:s3], $0x1, s24, s20, $0xb8;
	[tilespmem:$0x3900] =	vst v63  }
0x36: {  	_ = 	snop  }
0x37: {  	[tilespmem:s29], [sflag:$0x1] =	stream.indirect.gather [spmem:s2], $0x1, s28, s20, $0xb8;
	[tilespmem:$0x3900] =	vst v63  }
0x38: {  	_ = 	snop  }
0x39: {  	[tilespmem:s31], [sflag:$0x1] =	stream.indirect.gather [spmem:s3], $0x1, s30, s20, $0xb8;
	[tilespmem:$0x3900] =	vst v63  }
0x3a: {  	_ = 	snop  }
0x3b: {  	[tilespmem:s1], [sflag:$0x1] =	stream.indirect.gather [spmem:s2], $0x1, s0, s20, $0xb8;
	[tilespmem:$0x3900] =	vst v63  }
0x3c: {  	_ = 	snop  }
0x3d: {  	[tilespmem:s5], [sflag:$0x1] =	stream.indirect.gather [spmem:s3], $0x1, s17, s20, $0xb8;
	[tilespmem:$0x3900] =	vst v63  }
0x3e: {  	_ =	swait.ge [sflag:s19], $0x80  }
0x3f: {  	[sflag:s19] =	ssyncset.done $0x0  }
0x40: {  	[sflag:s19] =	ssyncadd.s32 $0xFFFFFF80  }
0x41: {  	_ =	swait.ge [sflag:s19], $0x80  }
0x42: {  	[sflag:s19] =	ssyncset.done $0x0  }
0x43: {  	[sflag:s19] =	ssyncadd.s32 $0xFFFFFF80  }
0x44: {  	v0 =	vld [tilespmem:$0x400]  }
0x45: {  	v1 =	vld [tilespmem:$0x600]  }
0x46: {  	v2 =	vld [tilespmem:$0x410]  }
0x47: {  	v3 =	vld [tilespmem:$0x610]  }
0x48: {  	v4 =	vld [tilespmem:$0x420]  }
0x49: {  	v5 =	vld [tilespmem:$0x620]  }
0x4a: {  	v6 =	vld [tilespmem:$0x430]  }
0x4b: {  	v7 =	vld [tilespmem:$0x630]  }
0x4c: {  	v8 =	vld [tilespmem:$0x440]  }
0x4d: {  	v9 =	vld [tilespmem:$0x640]  }
0x4e: {  	v10 =	vld [tilespmem:$0x450]  }
0x4f: {  	v11 =	vld [tilespmem:$0x650]  }
0x50: {  	v12 =	vld [tilespmem:$0x460]  }
0x51: {  	v40 =	vld [tilespmem:$0x660];
	v0 =	vsub.f32 v0, v1  }
0x52: {  	v41 =	vld [tilespmem:$0x470];
	v2 =	vsub.f32 v2, v3  }
0x53: {  	v43 =	vld [tilespmem:$0x670];
	v42 =	vsub.f32 v4, v5;
	[tilespmem:$0x400] =	vst v0  }
0x54: {  	v44 =	vsub.f32 v6, v7;
	[tilespmem:$0x410] =	vst v2  }
0x55: {  	v45 =	vsub.f32 v8, v9;
	[tilespmem:$0x420] =	vst v42  }
0x56: {  	v46 =	vsub.f32 v10, v11;
	[tilespmem:$0x430] =	vst v44  }
0x57: {  	v47 =	vsub.f32 v12, v40;
	[tilespmem:$0x440] =	vst v45  }
0x58: {  	v48 =	vsub.f32 v41, v43;
	[tilespmem:$0x450] =	vst v46  }
0x59: {  	[tilespmem:$0x460] =	vst v47  }
0x5a: {  	[tilespmem:$0x470] =	vst v48  }
0x5b: {  	[hbm4b:s11+s4] =	stream.linear.scatter [tilespmem:s21], [sflag:$0x1], $0x80, $0x38;
	[tilespmem:$0x3900] =	vst v63  }
0x5c: {  	_ =	swait.ge [sflag:s19], $0x80  }
0x5d: {  	[sflag:s19] =	ssyncset.done $0x0  }
0x5e: {  	[sflag:s19] =	ssyncadd.s32 $0xFFFFFF80  }
0x5f: {  	_ =	swait.ge [sflag:s19], $0x80  }
0x60: {  	[sflag:s19] =	ssyncset.done $0x0  }
0x61: {  	[sflag:s19] =	ssyncadd.s32 $0xFFFFFF80  }
0x62: {  	v49 =	vld [tilespmem:$0x480]  }
0x63: {  	v50 =	vld [tilespmem:$0x680]  }
0x64: {  	v51 =	vld [tilespmem:$0x490]  }
0x65: {  	v52 =	vld [tilespmem:$0x690]  }
0x66: {  	v53 =	vld [tilespmem:$0x4A0]  }
0x67: {  	v54 =	vld [tilespmem:$0x6A0]  }
0x68: {  	v55 =	vld [tilespmem:$0x4B0]  }
0x69: {  	v56 =	vld [tilespmem:$0x6B0]  }
0x6a: {  	v57 =	vld [tilespmem:$0x4C0]  }
0x6b: {  	v58 =	vld [tilespmem:$0x6C0]  }
0x6c: {  	v59 =	vld [tilespmem:$0x4D0]  }
0x6d: {  	v60 =	vld [tilespmem:$0x6D0]  }
0x6e: {  	v61 =	vld [tilespmem:$0x4E0]  }
0x6f: {  	v62 =	vld [tilespmem:$0x6E0];
	v0 =	vsub.f32 v49, v50  }
0x70: {  	v63 =	vld [tilespmem:$0x4F0];
	v2 =	vsub.f32 v51, v52  }
0x71: {  	v14 =	vld [tilespmem:$0x6F0];
	v13 =	vsub.f32 v53, v54;
	[tilespmem:$0x480] =	vst v0  }
0x72: {  	v15 =	vsub.f32 v55, v56;
	[tilespmem:$0x490] =	vst v2  }
0x73: {  	v16 =	vsub.f32 v57, v58;
	[tilespmem:$0x4A0] =	vst v13  }
0x74: {  	v17 =	vsub.f32 v59, v60;
	[tilespmem:$0x4B0] =	vst v15  }
0x75: {  	v18 =	vsub.f32 v61, v62;
	[tilespmem:$0x4C0] =	vst v16  }
0x76: {  	v19 =	vsub.f32 v63, v14;
	[tilespmem:$0x4D0] =	vst v17  }
0x77: {  	[tilespmem:$0x4E0] =	vst v18  }
0x78: {  	s16 =	sadd.s32 $0x10, s11;
	[tilespmem:$0x4F0] =	vst v19  }
0x79: {  	[hbm4b:s16+s4] =	stream.linear.scatter [tilespmem:s23], [sflag:$0x1], $0x80, $0x38;
	[tilespmem:$0x3900] =	vst v63  }
0x7a: {  	_ =	swait.ge [sflag:s19], $0x80  }
0x7b: {  	[sflag:s19] =	ssyncset.done $0x0  }
0x7c: {  	[sflag:s19] =	ssyncadd.s32 $0xFFFFFF80  }
0x7d: {  	_ =	swait.ge [sflag:s19], $0x80  }
0x7e: {  	[sflag:s19] =	ssyncset.done $0x0  }
0x7f: {  	[sflag:s19] =	ssyncadd.s32 $0xFFFFFF80  }
0x80: {  	v20 =	vld [tilespmem:$0x500]  }
0x81: {  	v21 =	vld [tilespmem:$0x700]  }
0x82: {  	v22 =	vld [tilespmem:$0x510]  }
0x83: {  	v23 =	vld [tilespmem:$0x710]  }
0x84: {  	v24 =	vld [tilespmem:$0x520]  }
0x85: {  	v25 =	vld [tilespmem:$0x720]  }
0x86: {  	v26 =	vld [tilespmem:$0x530]  }
0x87: {  	v27 =	vld [tilespmem:$0x730]  }
0x88: {  	v28 =	vld [tilespmem:$0x540]  }
0x89: {  	v29 =	vld [tilespmem:$0x740]  }
0x8a: {  	v30 =	vld [tilespmem:$0x550]  }
0x8b: {  	v31 =	vld [tilespmem:$0x750]  }
0x8c: {  	v32 =	vld [tilespmem:$0x560]  }
0x8d: {  	v33 =	vld [tilespmem:$0x760];
	v0 =	vsub.f32 v20, v21  }
0x8e: {  	v34 =	vld [tilespmem:$0x570];
	v2 =	vsub.f32 v22, v23  }
0x8f: {  	v36 =	vld [tilespmem:$0x770];
	v35 =	vsub.f32 v24, v25;
	[tilespmem:$0x500] =	vst v0  }
0x90: {  	v37 =	vsub.f32 v26, v27;
	[tilespmem:$0x510] =	vst v2  }
0x91: {  	v38 =	vsub.f32 v28, v29;
	[tilespmem:$0x520] =	vst v35  }
0x92: {  	v39 =	vsub.f32 v30, v31;
	[tilespmem:$0x530] =	vst v37  }
0x93: {  	v40 =	vsub.f32 v32, v33;
	[tilespmem:$0x540] =	vst v38  }
0x94: {  	v41 =	vsub.f32 v34, v36;
	[tilespmem:$0x550] =	vst v39  }
0x95: {  	[tilespmem:$0x560] =	vst v40  }
0x96: {  	s25 =	sadd.s32 $0x20, s11;
	[tilespmem:$0x570] =	vst v41  }
0x97: {  	[hbm4b:s25+s4] =	stream.linear.scatter [tilespmem:s29], [sflag:$0x1], $0x80, $0x38;
	[tilespmem:$0x3900] =	vst v63  }
0x98: {  	_ =	swait.ge [sflag:s19], $0x80  }
0x99: {  	[sflag:s19] =	ssyncset.done $0x0  }
0x9a: {  	[sflag:s19] =	ssyncadd.s32 $0xFFFFFF80  }
0x9b: {  	_ =	swait.ge [sflag:s19], $0x80  }
0x9c: {  	[sflag:s19] =	ssyncset.done $0x0  }
0x9d: {  	[sflag:s19] =	ssyncadd.s32 $0xFFFFFF80  }
0x9e: {  	v42 =	vld [tilespmem:$0x580]  }
0x9f: {  	v43 =	vld [tilespmem:$0x780]  }
0xa0: {  	v44 =	vld [tilespmem:$0x590]  }
0xa1: {  	v45 =	vld [tilespmem:$0x790]  }
0xa2: {  	v46 =	vld [tilespmem:$0x5A0]  }
0xa3: {  	v47 =	vld [tilespmem:$0x7A0]  }
0xa4: {  	v48 =	vld [tilespmem:$0x5B0]  }
0xa5: {  	v49 =	vld [tilespmem:$0x7B0]  }
0xa6: {  	v50 =	vld [tilespmem:$0x5C0]  }
0xa7: {  	v51 =	vld [tilespmem:$0x7C0]  }
0xa8: {  	v52 =	vld [tilespmem:$0x5D0]  }
0xa9: {  	v53 =	vld [tilespmem:$0x7D0]  }
0xaa: {  	v54 =	vld [tilespmem:$0x5E0]  }
0xab: {  	v55 =	vld [tilespmem:$0x7E0];
	v0 =	vsub.f32 v42, v43  }
0xac: {  	v56 =	vld [tilespmem:$0x5F0];
	v2 =	vsub.f32 v44, v45  }
0xad: {  	v58 =	vld [tilespmem:$0x7F0];
	v57 =	vsub.f32 v46, v47;
	[tilespmem:$0x580] =	vst v0  }
0xae: {  	v59 =	vsub.f32 v48, v49;
	[tilespmem:$0x590] =	vst v2  }
0xaf: {  	v60 =	vsub.f32 v50, v51;
	[tilespmem:$0x5A0] =	vst v57  }
0xb0: {  	v61 =	vsub.f32 v52, v53;
	[tilespmem:$0x5B0] =	vst v59  }
0xb1: {  	v62 =	vsub.f32 v54, v55;
	[tilespmem:$0x5C0] =	vst v60  }
0xb2: {  	v63 =	vsub.f32 v56, v58;
	[tilespmem:$0x5D0] =	vst v61  }
0xb3: {  	[tilespmem:$0x5E0] =	vst v62  }
0xb4: {  	s25 =	sadd.s32 $0x30, s11;
	[tilespmem:$0x5F0] =	vst v63  }
0xb5: {  	[hbm4b:s25+s4] =	stream.linear.scatter [tilespmem:s1], [sflag:$0x1], $0x80, $0x38;
	[tilespmem:$0x3900] =	vst v63  }
0xb6: {  	_ =	swait.ge [sflag:s19], $0x80  }
0xb7: {  	[sflag:s19] =	ssyncset.done $0x0  }
0xb8: {  	[sflag:s19] =	ssyncadd.s32 $0xFFFFFF80  }
0xb9: {  	_ =	swait.ge [sflag:s19], $0x80  }
0xba: {  	[sflag:s19] =	ssyncset.done $0x0  }
0xbb: {  	s12 =	sadd.s32 $0xFFFFFFFF, s12;
	[sflag:s19] =	ssyncadd.s32 $0xFFFFFF80  }
0xbc: {  	p2 =	sne.s32 s12, $0x0;
	_ =	swait.ge [sflag:s19], $0x80  }
.Ltmp1:
0xbd: {  	[sflag:s19] =	ssyncset.done $0x0;
	(pc) =	sbr.rel @!p2 .LBB2_7-.Ltmp1, $4  }
0xbe: {  	[sflag:s19] =	ssyncadd.s32 $0xFFFFFF80  }
0xbf: {  	_ =	swait.ge [sflag:s19], $0x80  }
0xc0: {  	[sflag:s19] =	ssyncset.done $0x0  }
0xc1: {  	[sflag:s19] =	ssyncadd.s32 $0xFFFFFF80  }
.LBB2_1:
0xc2: {  	[tilespmem:s4], [sflag:$0x1] =	stream.linear.gather [hbm4b:s6+s4], $0x200, $0x38;
	[tilespmem:$0x3900] =	vst v63  }
.Ltmp2:
0xc3: {  	_ = 	snop;
	(pc) =	sbr.rel @p0 .LBB2_4-.Ltmp2, $4  }
0xc4: {  	_ = 	snop  }
0xc5: {  	[tilespmem:s13], [sflag:$0x1] =	stream.linear.gather [hbm4b:s7+s4], $0x200, $0x38;
	[tilespmem:$0x3900] =	vst v63  }
0xc6: {  	[spmem:s14], [sflag:s9] =	dma.local [hbm:s8], $0x300  }
0xc7: {  	[spmem:s15], [sflag:s9] =	dma.local [hbm:s10], $0x300  }
.Ltmp3:
0xc8: {  	(pc) =	sbr.rel @p1 .LBB2_6-.Ltmp3, $1  }
0xc9: {  	_ =	sdelay $0x3  }
.Ltmp4:
0xca: {  	(pc) =	sbr.rel .LBB2_5-.Ltmp4, $4  }
0xcb: {  	s16 =	rddreg [dreg:$0x4]  }
0xcc: {  	s25 =	rddreg [dreg:$0xb];
	s24 =	simm.s32 $0x1C02  }
0xcd: {  	[spmem:s25], [sflag:s24] =	dma.local [hbm:s16], $0x100  }
0xce: {  	s24 =	simm.s32 $0x280  }
.LBB2_7:
0xcf: {  	_ =	sfence.sel $0x180000  }
0xd0: {  	[bflag:$0x0] =	sbarrier.arrive $0xFFFF  }
0xd1: {  	_ =	strace $0x90000047  }
0xd2: {  	[bflag:$0x2] =	sbarrier.arrive $0xFFFF  }
0xd3: {  	s0 =	rddreg [dreg:$0x8]  }
0xd4: {  	s0 =	sadd.s32 @!p1 $0x100000, s0  }
0xd5: {  	[sflag:s0] =	ssyncadd.tile.s32 @!p1 $0x1;
	_ =	shalt  }
.Lfunc_end2:
_tile_overlayer_lowered:
.L_overlay_start_2:
0xd6: {  	(tag) =	ssettag $0x2  }
0xd7: {  	s0 =	rddreg [dreg:$0x0];
	s2 =	stileid.u32  }
0xd8: {  	s1 =	rddreg [dreg:$0x1];
	p0 =	sne.s32 s2, $0x0  }
0xd9: {  	s3 =	rddreg [dreg:$0x2];
	[bflag:$0x3] =	sbarrier.arrive $0xFFFF;
	s2 =	simm.s32 @!p0 $0x1C02  }
0xda: {  	[timem:s3], [sflag:s2] =	dma.local @!p0 [hbm:s0], s1  }
0xdb: {  	s0 =	simm.s32 @!p0 $0x2  }
0xdc: {  	_ =	swait.ge @!p0 [sflag:s0], s1  }
0xdd: {  	s1 =	ssub.s32 @!p0 $0x0, s1;
	[sflag:s0] =	ssyncset.done @!p0 $0x0  }
0xde: {  	[sflag:s0] =	ssyncadd.s32 @!p0 s1  }
0xdf: {  	[bflag:$0x3] =	sbarrier.arrive $0xFFFF  }
0xe0: {  	_ =	shalt  }

</sc_bundles>
